<compile_context>
chip_gen: v7x
topology: tpu7x:2x2x1
jax: 0.10.2.dev20260603
libtpu: 0.0.44.dev20260713+nightly
codegen_flags: <defaults>
</compile_context>

<pallas_src>
import functools

import jax
import jax.numpy as jnp
from jax import lax
from jax.experimental import pallas as pl
from jax.experimental.pallas import tpu as pltpu
from jax.experimental.pallas import tpu_sc as plsc

B, NA, NBH = 8, 1024, 32
NB_ATOM, NF, NS = 128, 128, 25
CUTOFF = 0.8
LOG2 = 0.6931471805599453

E = B * NA * NBH
NW = 32
CH = 128

TA = 128
NAB = NA // TA


def _ssp(t):
    return jax.nn.softplus(t) - LOG2


def _in2f_kernel(x_ref, w_ref, o_ref):
    o_ref[...] = jnp.dot(x_ref[...], w_ref[...], preferred_element_type=jnp.float32)


def _in2f(x2, Wi):
    return pl.pallas_call(
        _in2f_kernel,
        grid=(B,),
        in_specs=[
            pl.BlockSpec((NA, NB_ATOM), lambda i: (i, 0)),
            pl.BlockSpec((NB_ATOM, NF), lambda i: (0, 0)),
        ],
        out_specs=pl.BlockSpec((NA, NF), lambda i: (i, 0)),
        out_shape=jax.ShapeDtypeStruct((B * NA, NF), jnp.float32),
    )(x2, Wi)


def _sc_gather(y2, idx1, n_edges):
    epw = n_edges // NW
    nch = epw // CH
    mesh = plsc.VectorSubcoreMesh(core_axis_name="c", subcore_axis_name="s")

    @functools.partial(
        pl.kernel,
        out_type=jax.ShapeDtypeStruct((n_edges, NF), jnp.float32),
        mesh=mesh,
        scratch_types=[
            pltpu.VMEM((epw,), jnp.int32),
            pltpu.VMEM((CH, NF), jnp.float32),
            pltpu.VMEM((CH, NF), jnp.float32),
            pltpu.SemaphoreType.DMA,
            pltpu.SemaphoreType.DMA,
        ],
    )
    def gather_k(y_hbm, idx_hbm, out_hbm, idx_v, rows0, rows1, sem0, sem1):
        wid = lax.axis_index("s") * 2 + lax.axis_index("c")
        base = wid * epw
        pltpu.sync_copy(idx_hbm.at[pl.ds(base, epw)], idx_v)

        pltpu.async_copy(y_hbm.at[idx_v.at[pl.ds(0, CH)]], rows0, sem0)

        def body(j, _):
            rows_cur = j % 2

            @pl.when(j + 1 < nch)
            def _():
                @pl.when(rows_cur == 0)
                def _():
                    pltpu.async_copy(
                        y_hbm.at[idx_v.at[pl.ds((j + 1) * CH, CH)]], rows1, sem1)

                @pl.when(rows_cur == 1)
                def _():
                    pltpu.async_copy(
                        y_hbm.at[idx_v.at[pl.ds((j + 1) * CH, CH)]], rows0, sem0)

            @pl.when(rows_cur == 0)
            def _():
                pltpu.make_async_copy(
                    y_hbm.at[idx_v.at[pl.ds(j * CH, CH)]], rows0, sem0).wait()
                pltpu.sync_copy(rows0, out_hbm.at[pl.ds(base + j * CH, CH)])

            @pl.when(rows_cur == 1)
            def _():
                pltpu.make_async_copy(
                    y_hbm.at[idx_v.at[pl.ds(j * CH, CH)]], rows1, sem1).wait()
                pltpu.sync_copy(rows1, out_hbm.at[pl.ds(base + j * CH, CH)])

            return 0

        lax.fori_loop(0, nch, body, 0)

    return gather_k(y2, idx1)


def _fused_kernel(ft_ref, r_ref, m_ref, g_ref, w1, b1r, w2, b2r, wf, bfr, wd, bdr, o_ref):
    c = jnp.where(r_ref[...] <= CUTOFF, 1.0, 0.0) * m_ref[...]
    t = jnp.zeros((TA, NF), jnp.float32)
    for j in range(NBH):
        ftj = ft_ref[0, :, j, :]
        hj = _ssp(
            lax.dot_general(ftj, w1[...], (((0,), (0,)), ((), ())),
                            preferred_element_type=jnp.float32) + b1r[...])
        filtj = jnp.dot(hj, w2[...], preferred_element_type=jnp.float32) + b2r[...]
        t = t + filtj * g_ref[0, j] * c[:, j:j + 1]
    u = _ssp(jnp.dot(t, wf[...], preferred_element_type=jnp.float32) + bfr[...])
    o_ref[0] = jnp.dot(u, wd[...], preferred_element_type=jnp.float32) + bdr[...]


def _fused(ft4, r2, m2, g4, W1, b1, W2, b2, Wf, bf, Wd, bd):
    const2 = lambda shape: pl.BlockSpec(shape, lambda b, i: (0, 0))
    return pl.pallas_call(
        _fused_kernel,
        grid=(B, NAB),
        in_specs=[
            pl.BlockSpec((1, NS, NBH, TA), lambda b, i: (b, 0, 0, i)),
            pl.BlockSpec((TA, NBH), lambda b, i: (b * NAB + i, 0)),
            pl.BlockSpec((TA, NBH), lambda b, i: (b * NAB + i, 0)),
            pl.BlockSpec((1, NBH, TA, NF), lambda b, i: (b, 0, i, 0)),
            const2((NS, NF)),
            const2((1, NF)),
            const2((NF, NF)),
            const2((1, NF)),
            const2((NF, NB_ATOM)),
            const2((1, NB_ATOM)),
            const2((NB_ATOM, NB_ATOM)),
            const2((1, NB_ATOM)),
        ],
        out_specs=pl.BlockSpec((1, TA, NB_ATOM), lambda b, i: (b, i, 0)),
        out_shape=jax.ShapeDtypeStruct((B, NA, NB_ATOM), jnp.float32),
    )(ft4, r2, m2, g4, W1, b1, W2, b2, Wf, bf, Wd, bd)


def kernel(x, r_ij, neighbors, neighbor_mask, f_ij, W1, b1, W2, b2, Wi, Wf, bf, Wd, bd):
    x2 = x.reshape(B * NA, NB_ATOM)
    y2 = _in2f(x2, Wi)

    nbT = jnp.transpose(neighbors.astype(jnp.int32), (0, 2, 1))
    idx = jnp.arange(B, dtype=jnp.int32)[:, None, None] * NA + nbT
    idx1 = idx.reshape(E)

    g = _sc_gather(y2, idx1, E)
    g4 = g.reshape(B, NBH, NA, NF)

    ft4 = jnp.transpose(f_ij, (0, 3, 2, 1))
    r2 = r_ij.reshape(B * NA, NBH)
    m2 = neighbor_mask.reshape(B * NA, NBH)
    b1r, b2r = b1.reshape(1, NF), b2.reshape(1, NF)
    bfr, bdr = bf.reshape(1, NB_ATOM), bd.reshape(1, NB_ATOM)

    return _fused(ft4, r2, m2, g4, W1, b1r, W2, b2r, Wf, bfr, Wd, bdr)

# --- scband reference (transcript-rebuilt; emitter-appended) ---
"""Pipeline reference for scband-sch-net-interaction-4372276707778 (READ-ONLY COPY).

The authoritative reference and input builder live on the scoring server;
editing this copy changes nothing except your own understanding.
"""

import jax, jax.numpy as jnp
import numpy as np

B, NA, NBH = 8, 1024, 32
NB_ATOM, NF, NS = 128, 128, 25
CUTOFF = 0.8


def ssp(t):
    # shifted softplus: log(0.5*exp(x) + 0.5) = softplus(x) - log(2)
    return jax.nn.softplus(t) - jnp.log(2.0)


def setup_inputs(seed: int = 0) -> dict:
    key = jax.random.key(seed)
    ks = jax.random.split(key, 12)
    x = jax.random.normal(ks[0], (B, NA, NB_ATOM), dtype=jnp.float32)
    r_ij = jax.random.uniform(ks[1], (B, NA, NBH), dtype=jnp.float32)
    neighbors = jax.random.randint(ks[2], (B, NA, NBH), 0, NA).astype(jnp.int64)
    neighbor_mask = jnp.ones((B, NA, NBH), dtype=jnp.float32)
    f_ij = jax.random.normal(ks[3], (B, NA, NBH, NS), dtype=jnp.float32)
    s = lambda fan_in: 1.0 / np.sqrt(fan_in)
    W1 = jax.random.normal(ks[4], (NS, NF), dtype=jnp.float32) * s(NS)
    b1 = jnp.zeros((NF,), dtype=jnp.float32)
    W2 = jax.random.normal(ks[5], (NF, NF), dtype=jnp.float32) * s(NF)
    b2 = jnp.zeros((NF,), dtype=jnp.float32)
    Wi = jax.random.normal(ks[6], (NB_ATOM, NF), dtype=jnp.float32) * s(NB_ATOM)
    Wf = jax.random.normal(ks[7], (NF, NB_ATOM), dtype=jnp.float32) * s(NF)
    bf = jnp.zeros((NB_ATOM,), dtype=jnp.float32)
    Wd = jax.random.normal(ks[8], (NB_ATOM, NB_ATOM), dtype=jnp.float32) * s(NB_ATOM)
    bd = jnp.zeros((NB_ATOM,), dtype=jnp.float32)
    return {"x": x, "r_ij": r_ij, "neighbors": neighbors, "neighbor_mask": neighbor_mask,
            "f_ij": f_ij, "W1": W1, "b1": b1, "W2": W2, "b2": b2,
            "Wi": Wi, "Wf": Wf, "bf": bf, "Wd": Wd, "bd": bd}


def reference(x, r_ij, neighbors, neighbor_mask, f_ij, W1, b1, W2, b2, Wi, Wf, bf, Wd, bd):
    # filter network: Dense(ssp) -> Dense(linear)
    W = ssp(f_ij @ W1 + b1) @ W2 + b2                      # (B, NA, NBH, NF)
    # HardCutoff on raw distances
    C = (r_ij <= CUTOFF).astype(x.dtype)                   # (B, NA, NBH)
    W = W * C[..., None]
    # cfconv: in2f (no bias, no activation)
    y = x @ Wi                                             # (B, NA, NF)
    # gather neighbor features
    nbh = neighbors.reshape(B, NA * NBH)[..., None]
    nbh = jnp.broadcast_to(nbh, (B, NA * NBH, NF))
    y = jnp.take_along_axis(y, nbh, axis=1)                # (B, NA*NBH, NF)
    y = y.reshape(B, NA, NBH, NF)
    # continuous-filter convolution + masked sum aggregation (normalize_filter=False)
    y = y * W
    y = jnp.sum(y * neighbor_mask[..., None], axis=2)      # (B, NA, NB_ATOM dims via NF)
    # f2out: Dense with shifted softplus activation
    y = ssp(y @ Wf + bf)                                   # (B, NA, NB_ATOM)
    # final dense (bias, no activation)
    v = y @ Wd + bd
    return v

if __name__ == "__main__":
    import jax
    _d = setup_inputs()
    print(jax.jit(kernel)(*tuple(_d.values())))

</pallas_src>

<mosaic_0001>
#map = affine_map<(d0, d1) -> (0, 0)>
#map1 = affine_map<(d0, d1) -> (0)>
module attributes {stable_mosaic.version = 14 : i64} {
  func.func @gather_k(%arg0: i32, %arg1: i32, %arg2: memref<8192x128xf32, #tpu.memory_space<hbm>>, %arg3: memref<262144xi32, #tpu.memory_space<hbm>>, %arg4: memref<262144x128xf32, #tpu.memory_space<hbm>>, %arg5: memref<8192xi32, #tpu.memory_space<vmem>>, %arg6: memref<128x128xf32, #tpu.memory_space<vmem>>, %arg7: memref<128x128xf32, #tpu.memory_space<vmem>>, %arg8: memref<!tpu.dma_semaphore, #tpu.memory_space<semaphore_mem>>, %arg9: memref<!tpu.dma_semaphore, #tpu.memory_space<semaphore_mem>>) attributes {dimension_semantics = [#tpu.dimension_semantics<core_parallel>, #tpu.dimension_semantics<subcore_parallel>], iteration_bounds = array<i64: 2, 16>, scalar_prefetch = 0 : i64, scratch_operands = 5 : i64, tpu.core_type = #tpu.core_type<sc_vector_subcore>, window_params = [{transform_indices = #map}, {transform_indices = #map1}, {transform_indices = #map}]} {
    %mul3A = arith.constant 2 : i32
    %mul3A_0 = arith.muli %arg1, %mul3A : i32
    %add3A = arith.addi %mul3A_0, %arg0 : i32
    %mul3A_1 = arith.constant 8192 : i32
    %mul3A_2 = arith.muli %add3A, %mul3A_1 : i32
    "tpu.region"() ({
      %run_scoped3A = tpu.sem_alloc : memref<!tpu.dma_semaphore, #tpu.memory_space<semaphore_mem>>
      %dma_start3A_13 = tpu.memref_slice %arg3[%mul3A_2] : memref<262144xi32, #tpu.memory_space<hbm>> -> memref<8192xi32, #tpu.memory_space<hbm>>
      %dma_start3A_14 = tpu.memref_slice %arg3[%mul3A_2] : memref<262144xi32, #tpu.memory_space<hbm>> -> memref<8192xi32, #tpu.memory_space<hbm>>
      tpu.enqueue_dma source(%dma_start3A_14 : memref<8192xi32, #tpu.memory_space<hbm>>) target(%arg5 : memref<8192xi32, #tpu.memory_space<vmem>>) target_semaphore(%run_scoped3A : memref<!tpu.dma_semaphore, #tpu.memory_space<semaphore_mem>>)
      %dma_wait3A = tpu.memref_slice %arg3[%mul3A_2] : memref<262144xi32, #tpu.memory_space<hbm>> -> memref<8192xi32, #tpu.memory_space<hbm>>
      %dma_wait3A_15 = tpu.memref_slice %arg3[%mul3A_2] : memref<262144xi32, #tpu.memory_space<hbm>> -> memref<8192xi32, #tpu.memory_space<hbm>>
      tpu.wait_dma2 semaphore(%run_scoped3A : memref<!tpu.dma_semaphore, #tpu.memory_space<semaphore_mem>>) src(%dma_wait3A_15 : memref<8192xi32, #tpu.memory_space<hbm>>) dst(%arg5 : memref<8192xi32, #tpu.memory_space<vmem>>)
      tpu.yield
    }) : () -> ()
    %dma_start3A = arith.constant 0 : i32
    %dma_start3A_3 = tpu.memref_slice %arg5[%dma_start3A] : memref<8192xi32, #tpu.memory_space<vmem>> -> memref<128xi32, #tpu.memory_space<vmem>>
    %dma_start3A_4 = arith.constant 0 : i32
    %dma_start3A_5 = arith.constant 0 : i32
    %dma_start3A_6 = tpu.memref_slice %arg2[%dma_start3A_4, %dma_start3A_5] : memref<8192x128xf32, #tpu.memory_space<hbm>> -> memref<8192x128xf32, #tpu.memory_space<hbm>>
    tpu.enqueue_indirect_dma source(%dma_start3A_6 : memref<8192x128xf32, #tpu.memory_space<hbm>>) target(%arg6 : memref<128x128xf32, #tpu.memory_space<vmem>>) offsets(%dma_start3A_3 : memref<128xi32, #tpu.memory_space<vmem>>) semaphore(%arg8 : memref<!tpu.dma_semaphore, #tpu.memory_space<semaphore_mem>>)
    %scan3A = arith.constant 0 : i32
    %scan3A_7 = arith.constant 0 : i32
    %scan3A_8 = arith.constant 64 : i32
    %scan3A_9 = arith.addi %scan3A_7, %scan3A_8 : i32
    %scan3A_10 = arith.constant 1 : i32
    %scan3A_11 = scf.for %scan3A_13 = %scan3A_7 to %scan3A_9 step %scan3A_10 iter_args(%scan3A_14 = %scan3A) -> (i32)  : i32 {
      %jit3A = arith.constant 2 : i32
      %eq3A = arith.constant 0 : i32
      %eq3A_15 = arith.cmpi eq, %jit3A, %eq3A : i32
      %jit3A_16 = arith.constant 1 : i32
      %select_n3A = arith.select %eq3A_15, %jit3A_16, %jit3A : i32
      %rem3A = arith.remsi %scan3A_13, %select_n3A : i32
      %ne3A = arith.constant 0 : i32
      %ne3A_17 = arith.cmpi ne, %rem3A, %ne3A : i32
      %lt3A = arith.constant 0 : i32
      %lt3A_18 = arith.cmpi slt, %rem3A, %lt3A : i32
      %lt3A_19 = arith.constant 0 : i32
      %lt3A_20 = arith.cmpi slt, %select_n3A, %lt3A_19 : i32
      %ne3A_21 = arith.xori %lt3A_18, %lt3A_20 : i1
      %and3A = arith.andi %ne3A_21, %ne3A_17 : i1
      %add3A_22 = arith.addi %rem3A, %select_n3A : i32
      %select_n3A_23 = arith.select %and3A, %add3A_22, %rem3A : i32
      %add3A_24 = arith.constant 1 : i32
      %add3A_25 = arith.addi %scan3A_13, %add3A_24 : i32
      %lt3A_26 = arith.constant 64 : i32
      %lt3A_27 = arith.cmpi slt, %add3A_25, %lt3A_26 : i32
      %convert_element_type3A = arith.extui %lt3A_27 : i1 to i32
      %cond3A = arith.constant 0 : i32
      %cond3A_28 = arith.cmpi ne, %convert_element_type3A, %cond3A : i32
      scf.if %cond3A_28 {
        %eq3A_40 = arith.constant 0 : i32
        %eq3A_41 = arith.cmpi eq, %select_n3A_23, %eq3A_40 : i32
        %convert_element_type3A_42 = arith.extui %eq3A_41 : i1 to i32
        %cond3A_43 = arith.constant 0 : i32
        %cond3A_44 = arith.cmpi ne, %convert_element_type3A_42, %cond3A_43 : i32
        scf.if %cond3A_44 {
          %add3A_50 = arith.constant 1 : i32
          %add3A_51 = arith.addi %scan3A_13, %add3A_50 : i32
          %mul3A_52 = arith.constant 128 : i32
          %mul3A_53 = arith.muli %add3A_51, %mul3A_52 : i32
          %dma_start3A_54 = tpu.memref_slice %arg5[%mul3A_53] : memref<8192xi32, #tpu.memory_space<vmem>> -> memref<128xi32, #tpu.memory_space<vmem>>
          %dma_start3A_55 = arith.constant 0 : i32
          %dma_start3A_56 = arith.constant 0 : i32
          %dma_start3A_57 = tpu.memref_slice %arg2[%dma_start3A_55, %dma_start3A_56] : memref<8192x128xf32, #tpu.memory_space<hbm>> -> memref<8192x128xf32, #tpu.memory_space<hbm>>
          tpu.enqueue_indirect_dma source(%dma_start3A_57 : memref<8192x128xf32, #tpu.memory_space<hbm>>) target(%arg7 : memref<128x128xf32, #tpu.memory_space<vmem>>) offsets(%dma_start3A_54 : memref<128xi32, #tpu.memory_space<vmem>>) semaphore(%arg9 : memref<!tpu.dma_semaphore, #tpu.memory_space<semaphore_mem>>)
        } else {
        }
        %eq3A_45 = arith.constant 1 : i32
        %eq3A_46 = arith.cmpi eq, %select_n3A_23, %eq3A_45 : i32
        %convert_element_type3A_47 = arith.extui %eq3A_46 : i1 to i32
        %cond3A_48 = arith.constant 0 : i32
        %cond3A_49 = arith.cmpi ne, %convert_element_type3A_47, %cond3A_48 : i32
        scf.if %cond3A_49 {
          %add3A_50 = arith.constant 1 : i32
          %add3A_51 = arith.addi %scan3A_13, %add3A_50 : i32
          %mul3A_52 = arith.constant 128 : i32
          %mul3A_53 = arith.muli %add3A_51, %mul3A_52 : i32
          %dma_start3A_54 = tpu.memref_slice %arg5[%mul3A_53] : memref<8192xi32, #tpu.memory_space<vmem>> -> memref<128xi32, #tpu.memory_space<vmem>>
          %dma_start3A_55 = arith.constant 0 : i32
          %dma_start3A_56 = arith.constant 0 : i32
          %dma_start3A_57 = tpu.memref_slice %arg2[%dma_start3A_55, %dma_start3A_56] : memref<8192x128xf32, #tpu.memory_space<hbm>> -> memref<8192x128xf32, #tpu.memory_space<hbm>>
          tpu.enqueue_indirect_dma source(%dma_start3A_57 : memref<8192x128xf32, #tpu.memory_space<hbm>>) target(%arg6 : memref<128x128xf32, #tpu.memory_space<vmem>>) offsets(%dma_start3A_54 : memref<128xi32, #tpu.memory_space<vmem>>) semaphore(%arg8 : memref<!tpu.dma_semaphore, #tpu.memory_space<semaphore_mem>>)
        } else {
        }
      } else {
      }
      %eq3A_29 = arith.constant 0 : i32
      %eq3A_30 = arith.cmpi eq, %select_n3A_23, %eq3A_29 : i32
      %convert_element_type3A_31 = arith.extui %eq3A_30 : i1 to i32
      %cond3A_32 = arith.constant 0 : i32
      %cond3A_33 = arith.cmpi ne, %convert_element_type3A_31, %cond3A_32 : i32
      scf.if %cond3A_33 {
        %mul3A_40 = arith.constant 128 : i32
        %mul3A_41 = arith.muli %scan3A_13, %mul3A_40 : i32
        %dma_wait3A = tpu.memref_slice %arg5[%mul3A_41] : memref<8192xi32, #tpu.memory_space<vmem>> -> memref<128xi32, #tpu.memory_space<vmem>>
        %dma_wait3A_42 = arith.constant 0 : i32
        %dma_wait3A_43 = arith.constant 0 : i32
        %dma_wait3A_44 = tpu.memref_slice %arg2[%dma_wait3A_42, %dma_wait3A_43] : memref<8192x128xf32, #tpu.memory_space<hbm>> -> memref<8192x128xf32, #tpu.memory_space<hbm>>
        tpu.wait_indirect_dma semaphore(%arg8 : memref<!tpu.dma_semaphore, #tpu.memory_space<semaphore_mem>>) src(%dma_wait3A_44 : memref<8192x128xf32, #tpu.memory_space<hbm>>) dst(%arg6 : memref<128x128xf32, #tpu.memory_space<vmem>>)
        %mul3A_45 = arith.constant 128 : i32
        %mul3A_46 = arith.muli %scan3A_13, %mul3A_45 : i32
        %add3A_47 = arith.addi %mul3A_2, %mul3A_46 : i32
        "tpu.region"() ({
          %run_scoped3A = tpu.sem_alloc : memref<!tpu.dma_semaphore, #tpu.memory_space<semaphore_mem>>
          %dma_start3A_48 = arith.constant 0 : i32
          %dma_start3A_49 = tpu.memref_slice %arg4[%add3A_47, %dma_start3A_48] : memref<262144x128xf32, #tpu.memory_space<hbm>> -> memref<128x128xf32, #tpu.memory_space<hbm>>
          %dma_start3A_50 = arith.constant 0 : i32
          %dma_start3A_51 = tpu.memref_slice %arg4[%add3A_47, %dma_start3A_50] : memref<262144x128xf32, #tpu.memory_space<hbm>> -> memref<128x128xf32, #tpu.memory_space<hbm>>
          tpu.enqueue_dma source(%arg6 : memref<128x128xf32, #tpu.memory_space<vmem>>) target(%dma_start3A_51 : memref<128x128xf32, #tpu.memory_space<hbm>>) target_semaphore(%run_scoped3A : memref<!tpu.dma_semaphore, #tpu.memory_space<semaphore_mem>>)
          %dma_wait3A_52 = arith.constant 0 : i32
          %dma_wait3A_53 = tpu.memref_slice %arg4[%add3A_47, %dma_wait3A_52] : memref<262144x128xf32, #tpu.memory_space<hbm>> -> memref<128x128xf32, #tpu.memory_space<hbm>>
          %dma_wait3A_54 = arith.constant 0 : i32
          %dma_wait3A_55 = tpu.memref_slice %arg4[%add3A_47, %dma_wait3A_54] : memref<262144x128xf32, #tpu.memory_space<hbm>> -> memref<128x128xf32, #tpu.memory_space<hbm>>
          tpu.wait_dma2 semaphore(%run_scoped3A : memref<!tpu.dma_semaphore, #tpu.memory_space<semaphore_mem>>) src(%arg6 : memref<128x128xf32, #tpu.memory_space<vmem>>) dst(%dma_wait3A_55 : memref<128x128xf32, #tpu.memory_space<hbm>>)
          tpu.yield
        }) : () -> ()
      } else {
      }
      %eq3A_34 = arith.constant 1 : i32
      %eq3A_35 = arith.cmpi eq, %select_n3A_23, %eq3A_34 : i32
      %convert_element_type3A_36 = arith.extui %eq3A_35 : i1 to i32
      %cond3A_37 = arith.constant 0 : i32
      %cond3A_38 = arith.cmpi ne, %convert_element_type3A_36, %cond3A_37 : i32
      scf.if %cond3A_38 {
        %mul3A_40 = arith.constant 128 : i32
        %mul3A_41 = arith.muli %scan3A_13, %mul3A_40 : i32
        %dma_wait3A = tpu.memref_slice %arg5[%mul3A_41] : memref<8192xi32, #tpu.memory_space<vmem>> -> memref<128xi32, #tpu.memory_space<vmem>>
        %dma_wait3A_42 = arith.constant 0 : i32
        %dma_wait3A_43 = arith.constant 0 : i32
        %dma_wait3A_44 = tpu.memref_slice %arg2[%dma_wait3A_42, %dma_wait3A_43] : memref<8192x128xf32, #tpu.memory_space<hbm>> -> memref<8192x128xf32, #tpu.memory_space<hbm>>
        tpu.wait_indirect_dma semaphore(%arg9 : memref<!tpu.dma_semaphore, #tpu.memory_space<semaphore_mem>>) src(%dma_wait3A_44 : memref<8192x128xf32, #tpu.memory_space<hbm>>) dst(%arg7 : memref<128x128xf32, #tpu.memory_space<vmem>>)
        %mul3A_45 = arith.constant 128 : i32
        %mul3A_46 = arith.muli %scan3A_13, %mul3A_45 : i32
        %add3A_47 = arith.addi %mul3A_2, %mul3A_46 : i32
        "tpu.region"() ({
          %run_scoped3A = tpu.sem_alloc : memref<!tpu.dma_semaphore, #tpu.memory_space<semaphore_mem>>
          %dma_start3A_48 = arith.constant 0 : i32
          %dma_start3A_49 = tpu.memref_slice %arg4[%add3A_47, %dma_start3A_48] : memref<262144x128xf32, #tpu.memory_space<hbm>> -> memref<128x128xf32, #tpu.memory_space<hbm>>
          %dma_start3A_50 = arith.constant 0 : i32
          %dma_start3A_51 = tpu.memref_slice %arg4[%add3A_47, %dma_start3A_50] : memref<262144x128xf32, #tpu.memory_space<hbm>> -> memref<128x128xf32, #tpu.memory_space<hbm>>
          tpu.enqueue_dma source(%arg7 : memref<128x128xf32, #tpu.memory_space<vmem>>) target(%dma_start3A_51 : memref<128x128xf32, #tpu.memory_space<hbm>>) target_semaphore(%run_scoped3A : memref<!tpu.dma_semaphore, #tpu.memory_space<semaphore_mem>>)
          %dma_wait3A_52 = arith.constant 0 : i32
          %dma_wait3A_53 = tpu.memref_slice %arg4[%add3A_47, %dma_wait3A_52] : memref<262144x128xf32, #tpu.memory_space<hbm>> -> memref<128x128xf32, #tpu.memory_space<hbm>>
          %dma_wait3A_54 = arith.constant 0 : i32
          %dma_wait3A_55 = tpu.memref_slice %arg4[%add3A_47, %dma_wait3A_54] : memref<262144x128xf32, #tpu.memory_space<hbm>> -> memref<128x128xf32, #tpu.memory_space<hbm>>
          tpu.wait_dma2 semaphore(%run_scoped3A : memref<!tpu.dma_semaphore, #tpu.memory_space<semaphore_mem>>) src(%arg7 : memref<128x128xf32, #tpu.memory_space<vmem>>) dst(%dma_wait3A_55 : memref<128x128xf32, #tpu.memory_space<hbm>>)
          tpu.yield
        }) : () -> ()
      } else {
      }
      %scan3A_39 = arith.constant 0 : i32
      scf.yield %scan3A_39 : i32
    }
    %scan3A_12 = arith.constant 64 : i32
    return
  }
}

module attributes {stable_mosaic.version = 14 : i64} {
  func.func @_in2f_kernel(%arg0: i32, %arg1: memref<1024x128xf32, #tpu.memory_space<vmem>>, %arg2: memref<128x128xf32, #tpu.memory_space<vmem>>, %arg3: memref<1024x128xf32, #tpu.memory_space<vmem>>) attributes {dimension_semantics = [#tpu.dimension_semantics<arbitrary>], iteration_bounds = array<i64: 8>, scalar_prefetch = 0 : i64, scratch_operands = 0 : i64, tpu.core_type = #tpu.core_type<tc>, window_params = [{transform_indices = @transform_0, window_bounds = array<i64: 1024, 128>}, {pipeline_mode = #tpu.pipeline_mode<synchronous>, transform_indices = @transform_1, window_bounds = array<i64: 128, 128>}, {transform_indices = @transform_2, window_bounds = array<i64: 1024, 128>}]} {
    %get3A = arith.constant 0 : index
    %get3A_0 = arith.constant 0 : index
    %get3A_1 = vector.load %arg1[%get3A, %get3A_0] : memref<1024x128xf32, #tpu.memory_space<vmem>>, vector<1024x128xf32>
    %get3A_2 = arith.constant 0 : index
    %get3A_3 = arith.constant 0 : index
    %get3A_4 = vector.load %arg2[%get3A_2, %get3A_3] : memref<128x128xf32, #tpu.memory_space<vmem>>, vector<128x128xf32>
    %dot_general3A = arith.constant dense<0.000000e+00> : vector<1024x128xf32>
    %dot_general3A_5 = tpu.matmul %get3A_1, %get3A_4, %dot_general3A {dimension_numbers = #tpu.dot_dimension_numbers<[1], [0], [0], [1], [0, 0, 1, 1], [], []>, transpose_lhs_hint = false} : vector<1024x128xf32>, vector<128x128xf32>, vector<1024x128xf32> -> vector<1024x128xf32>
    %swap3A = arith.constant 0 : index
    %swap3A_6 = arith.constant 0 : index
    %swap3A_7 = vector.load %arg3[%swap3A, %swap3A_6] : memref<1024x128xf32, #tpu.memory_space<vmem>>, vector<1024x128xf32>
    tpu.vector_store %arg3[%swap3A, %swap3A_6], %dot_general3A_5 {strides = array<i32>} : memref<1024x128xf32, #tpu.memory_space<vmem>>, vector<1024x128xf32>,
    return
  }
  func.func @transform_0(%arg0: i32) -> (i32, i32) {
    %c0_i32 = arith.constant 0 : i32
    %c0_i32_0 = arith.constant 0 : i32
    return %arg0, %c0_i32 : i32, i32
  }
  func.func @transform_1(%arg0: i32) -> (i32, i32) {
    %c0_i32 = arith.constant 0 : i32
    %c0_i32_0 = arith.constant 0 : i32
    %c0_i32_1 = arith.constant 0 : i32
    return %c0_i32, %c0_i32_0 : i32, i32
  }
  func.func @transform_2(%arg0: i32) -> (i32, i32) {
    %c0_i32 = arith.constant 0 : i32
    %c0_i32_0 = arith.constant 0 : i32
    return %arg0, %c0_i32 : i32, i32
  }
}

module attributes {stable_mosaic.version = 14 : i64} {
  func.func @_fused_kernel(%arg0: i32, %arg1: i32, %arg2: memref<1x25x32x128xf32, #tpu.memory_space<vmem>>, %arg3: memref<128x32xf32, #tpu.memory_space<vmem>>, %arg4: memref<128x32xf32, #tpu.memory_space<vmem>>, %arg5: memref<1x32x128x128xf32, #tpu.memory_space<vmem>>, %arg6: memref<25x128xf32, #tpu.memory_space<vmem>>, %arg7: memref<1x128xf32, #tpu.memory_space<vmem>>, %arg8: memref<128x128xf32, #tpu.memory_space<vmem>>, %arg9: memref<1x128xf32, #tpu.memory_space<vmem>>, %arg10: memref<128x128xf32, #tpu.memory_space<vmem>>, %arg11: memref<1x128xf32, #tpu.memory_space<vmem>>, %arg12: memref<128x128xf32, #tpu.memory_space<vmem>>, %arg13: memref<1x128xf32, #tpu.memory_space<vmem>>, %arg14: memref<1x128x128xf32, #tpu.memory_space<vmem>>) attributes {dimension_semantics = [#tpu.dimension_semantics<arbitrary>, #tpu.dimension_semantics<arbitrary>], iteration_bounds = array<i64: 8, 8>, scalar_prefetch = 0 : i64, scratch_operands = 0 : i64, tpu.core_type = #tpu.core_type<tc>, window_params = [{transform_indices = @transform_0, window_bounds = array<i64: 1, 25, 32, 128>}, {transform_indices = @transform_1, window_bounds = array<i64: 128, 32>}, {transform_indices = @transform_2, window_bounds = array<i64: 128, 32>}, {transform_indices = @transform_3, window_bounds = array<i64: 1, 32, 128, 128>}, {pipeline_mode = #tpu.pipeline_mode<synchronous>, transform_indices = @transform_4, window_bounds = array<i64: 25, 128>}, {pipeline_mode = #tpu.pipeline_mode<synchronous>, transform_indices = @transform_5, window_bounds = array<i64: 1, 128>}, {pipeline_mode = #tpu.pipeline_mode<synchronous>, transform_indices = @transform_6, window_bounds = array<i64: 128, 128>}, {pipeline_mode = #tpu.pipeline_mode<synchronous>, transform_indices = @transform_7, window_bounds = array<i64: 1, 128>}, {pipeline_mode = #tpu.pipeline_mode<synchronous>, transform_indices = @transform_8, window_bounds = array<i64: 128, 128>}, {pipeline_mode = #tpu.pipeline_mode<synchronous>, transform_indices = @transform_9, window_bounds = array<i64: 1, 128>}, {pipeline_mode = #tpu.pipeline_mode<synchronous>, transform_indices = @transform_10, window_bounds = array<i64: 128, 128>}, {pipeline_mode = #tpu.pipeline_mode<synchronous>, transform_indices = @transform_11, window_bounds = array<i64: 1, 128>}, {transform_indices = @transform_12, window_bounds = array<i64: 1, 128, 128>}]} {
    %get3A = arith.constant 0 : index
    %get3A_0 = arith.constant 0 : index
    %get3A_1 = vector.load %arg3[%get3A, %get3A_0] : memref<128x32xf32, #tpu.memory_space<vmem>>, vector<128x32xf32>
    %le3A = arith.constant 8.000000e-01 : f32
    %le3A_2 = vector.broadcast %le3A : f32 to vector<128x32xf32>
    %le3A_3 = arith.cmpf ole, %get3A_1, %le3A_2 : vector<128x32xf32>
    %jit3A = arith.constant 1.000000e+00 : f32
    %jit3A_4 = arith.constant 0.000000e+00 : f32
    %broadcast_in_dim3A = vector.broadcast %jit3A : f32 to vector<128x32xf32>
    %broadcast_in_dim3A_5 = vector.broadcast %jit3A_4 : f32 to vector<128x32xf32>
    %select_n3A = arith.select %le3A_3, %broadcast_in_dim3A, %broadcast_in_dim3A_5 : vector<128x32xi1>, vector<128x32xf32>
    %get3A_6 = arith.constant 0 : index
    %get3A_7 = arith.constant 0 : index
    %get3A_8 = vector.load %arg4[%get3A_6, %get3A_7] : memref<128x32xf32, #tpu.memory_space<vmem>>, vector<128x32xf32>
    %mul3A = arith.mulf %select_n3A, %get3A_8 : vector<128x32xf32>
    %broadcast_in_dim3A_9 = arith.constant 0.000000e+00 : f32
    %broadcast_in_dim3A_10 = vector.broadcast %broadcast_in_dim3A_9 : f32 to vector<128x128xf32>
    %get3A_11 = arith.constant 0 : index
    %get3A_12 = arith.constant 0 : index
    %get3A_13 = arith.constant 0 : index
    %get3A_14 = arith.constant 0 : index
    %get3A_15 = vector.load %arg2[%get3A_11, %get3A_12, %get3A_13, %get3A_14] : memref<1x25x32x128xf32, #tpu.memory_space<vmem>>, vector<1x25x1x128xf32>
    %get3A_16 = vector.shape_cast %get3A_15 : vector<1x25x1x128xf32> to vector<25x128xf32>
    %get3A_17 = arith.constant 0 : index
    %get3A_18 = arith.constant 0 : index
    %get3A_19 = vector.load %arg6[%get3A_17, %get3A_18] : memref<25x128xf32, #tpu.memory_space<vmem>>, vector<25x128xf32>
    %dot_general3A = arith.constant dense<0.000000e+00> : vector<128x128xf32>
    %dot_general3A_20 = tpu.matmul %get3A_16, %get3A_19, %dot_general3A {dimension_numbers = #tpu.dot_dimension_numbers<[0], [0], [1], [1], [0, 1, 1, 1], [], []>, transpose_lhs_hint = false} : vector<25x128xf32>, vector<25x128xf32>, vector<128x128xf32> -> vector<128x128xf32>
    %get3A_21 = arith.constant 0 : index
    %get3A_22 = arith.constant 0 : index
    %get3A_23 = vector.load %arg7[%get3A_21, %get3A_22] : memref<1x128xf32, #tpu.memory_space<vmem>>, vector<1x128xf32>
    %add3A = vector.broadcast %get3A_23 : vector<1x128xf32> to vector<128x128xf32>
    %add3A_24 = arith.addf %dot_general3A_20, %add3A : vector<128x128xf32>
    %custom_jvp_call3A = arith.constant 0.000000e+00 : f32
    %max3A = vector.broadcast %custom_jvp_call3A : f32 to vector<128x128xf32>
    %max3A_25 = arith.maximumf %add3A_24, %max3A : vector<128x128xf32>
    %sub3A = vector.broadcast %custom_jvp_call3A : f32 to vector<128x128xf32>
    %sub3A_26 = arith.subf %add3A_24, %sub3A : vector<128x128xf32>
    %ne3A = arith.cmpf one, %sub3A_26, %sub3A_26 : vector<128x128xf32>
    %add3A_27 = vector.broadcast %custom_jvp_call3A : f32 to vector<128x128xf32>
    %add3A_28 = arith.addf %add3A_24, %add3A_27 : vector<128x128xf32>
    %abs3A = math.absf %sub3A_26 : vector<128x128xf32>
    %neg3A = arith.constant 0.000000e+00 : f32
    %neg3A_29 = vector.broadcast %neg3A : f32 to vector<128x128xf32>
    %neg3A_30 = arith.subf %neg3A_29, %abs3A : vector<128x128xf32>
    %exp3A = math.exp %neg3A_30 : vector<128x128xf32>
    %log1p3A = math.log1p %exp3A : vector<128x128xf32>
    %add3A_31 = arith.addf %max3A_25, %log1p3A : vector<128x128xf32>
    %select_n3A_32 = arith.select %ne3A, %add3A_28, %add3A_31 : vector<128x128xi1>, vector<128x128xf32>
    %sub3A_33 = arith.constant 0.693147182 : f32
    %sub3A_34 = vector.broadcast %sub3A_33 : f32 to vector<128x128xf32>
    %sub3A_35 = arith.subf %select_n3A_32, %sub3A_34 : vector<128x128xf32>
    %get3A_36 = arith.constant 0 : index
    %get3A_37 = arith.constant 0 : index
    %get3A_38 = vector.load %arg8[%get3A_36, %get3A_37] : memref<128x128xf32, #tpu.memory_space<vmem>>, vector<128x128xf32>
    %dot_general3A_39 = arith.constant dense<0.000000e+00> : vector<128x128xf32>
    %dot_general3A_40 = tpu.matmul %sub3A_35, %get3A_38, %dot_general3A_39 {dimension_numbers = #tpu.dot_dimension_numbers<[1], [0], [0], [1], [0, 0, 1, 1], [], []>, transpose_lhs_hint = false} : vector<128x128xf32>, vector<128x128xf32>, vector<128x128xf32> -> vector<128x128xf32>
    %get3A_41 = arith.constant 0 : index
    %get3A_42 = arith.constant 0 : index
    %get3A_43 = vector.load %arg9[%get3A_41, %get3A_42] : memref<1x128xf32, #tpu.memory_space<vmem>>, vector<1x128xf32>
    %add3A_44 = vector.broadcast %get3A_43 : vector<1x128xf32> to vector<128x128xf32>
    %add3A_45 = arith.addf %dot_general3A_40, %add3A_44 : vector<128x128xf32>
    %get3A_46 = arith.constant 0 : index
    %get3A_47 = arith.constant 0 : index
    %get3A_48 = arith.constant 0 : index
    %get3A_49 = arith.constant 0 : index
    %get3A_50 = vector.load %arg5[%get3A_46, %get3A_47, %get3A_48, %get3A_49] : memref<1x32x128x128xf32, #tpu.memory_space<vmem>>, vector<1x1x128x128xf32>
    %get3A_51 = vector.shape_cast %get3A_50 : vector<1x1x128x128xf32> to vector<128x128xf32>
    %mul3A_52 = arith.mulf %add3A_45, %get3A_51 : vector<128x128xf32>
    %slice3A = vector.extract_strided_slice %mul3A {offsets = [0, 0], sizes = [128, 1], strides = [1, 1]} : vector<128x32xf32> to vector<128x1xf32>
    %mul3A_53 = vector.broadcast %slice3A : vector<128x1xf32> to vector<128x128xf32>
    %mul3A_54 = arith.mulf %mul3A_52, %mul3A_53 : vector<128x128xf32>
    %add3A_55 = arith.addf %broadcast_in_dim3A_10, %mul3A_54 : vector<128x128xf32>
    %get3A_56 = arith.constant 0 : index
    %get3A_57 = arith.constant 0 : index
    %get3A_58 = arith.constant 1 : index
    %get3A_59 = arith.constant 0 : index
    %get3A_60 = vector.load %arg2[%get3A_56, %get3A_57, %get3A_58, %get3A_59] : memref<1x25x32x128xf32, #tpu.memory_space<vmem>>, vector<1x25x1x128xf32>
    %get3A_61 = vector.shape_cast %get3A_60 : vector<1x25x1x128xf32> to vector<25x128xf32>
    %get3A_62 = arith.constant 0 : index
    %get3A_63 = arith.constant 0 : index
    %get3A_64 = vector.load %arg6[%get3A_62, %get3A_63] : memref<25x128xf32, #tpu.memory_space<vmem>>, vector<25x128xf32>
    %dot_general3A_65 = arith.constant dense<0.000000e+00> : vector<128x128xf32>
    %dot_general3A_66 = tpu.matmul %get3A_61, %get3A_64, %dot_general3A_65 {dimension_numbers = #tpu.dot_dimension_numbers<[0], [0], [1], [1], [0, 1, 1, 1], [], []>, transpose_lhs_hint = false} : vector<25x128xf32>, vector<25x128xf32>, vector<128x128xf32> -> vector<128x128xf32>
    %get3A_67 = arith.constant 0 : index
    %get3A_68 = arith.constant 0 : index
    %get3A_69 = vector.load %arg7[%get3A_67, %get3A_68] : memref<1x128xf32, #tpu.memory_space<vmem>>, vector<1x128xf32>
    %add3A_70 = vector.broadcast %get3A_69 : vector<1x128xf32> to vector<128x128xf32>
    %add3A_71 = arith.addf %dot_general3A_66, %add3A_70 : vector<128x128xf32>
    %custom_jvp_call3A_72 = arith.constant 0.000000e+00 : f32
    %max3A_73 = vector.broadcast %custom_jvp_call3A_72 : f32 to vector<128x128xf32>
    %max3A_74 = arith.maximumf %add3A_71, %max3A_73 : vector<128x128xf32>
    %sub3A_75 = vector.broadcast %custom_jvp_call3A_72 : f32 to vector<128x128xf32>
    %sub3A_76 = arith.subf %add3A_71, %sub3A_75 : vector<128x128xf32>
    %ne3A_77 = arith.cmpf one, %sub3A_76, %sub3A_76 : vector<128x128xf32>
    %add3A_78 = vector.broadcast %custom_jvp_call3A_72 : f32 to vector<128x128xf32>
    %add3A_79 = arith.addf %add3A_71, %add3A_78 : vector<128x128xf32>
    %abs3A_80 = math.absf %sub3A_76 : vector<128x128xf32>
    %neg3A_81 = arith.constant 0.000000e+00 : f32
    %neg3A_82 = vector.broadcast %neg3A_81 : f32 to vector<128x128xf32>
    %neg3A_83 = arith.subf %neg3A_82, %abs3A_80 : vector<128x128xf32>
    %exp3A_84 = math.exp %neg3A_83 : vector<128x128xf32>
    %log1p3A_85 = math.log1p %exp3A_84 : vector<128x128xf32>
    %add3A_86 = arith.addf %max3A_74, %log1p3A_85 : vector<128x128xf32>
    %select_n3A_87 = arith.select %ne3A_77, %add3A_79, %add3A_86 : vector<128x128xi1>, vector<128x128xf32>
    %sub3A_88 = arith.constant 0.693147182 : f32
    %sub3A_89 = vector.broadcast %sub3A_88 : f32 to vector<128x128xf32>
    %sub3A_90 = arith.subf %select_n3A_87, %sub3A_89 : vector<128x128xf32>
    %get3A_91 = arith.constant 0 : index
    %get3A_92 = arith.constant 0 : index
    %get3A_93 = vector.load %arg8[%get3A_91, %get3A_92] : memref<128x128xf32, #tpu.memory_space<vmem>>, vector<128x128xf32>
    %dot_general3A_94 = arith.constant dense<0.000000e+00> : vector<128x128xf32>
    %dot_general3A_95 = tpu.matmul %sub3A_90, %get3A_93, %dot_general3A_94 {dimension_numbers = #tpu.dot_dimension_numbers<[1], [0], [0], [1], [0, 0, 1, 1], [], []>, transpose_lhs_hint = false} : vector<128x128xf32>, vector<128x128xf32>, vector<128x128xf32> -> vector<128x128xf32>
    %get3A_96 = arith.constant 0 : index
    %get3A_97 = arith.constant 0 : index
    %get3A_98 = vector.load %arg9[%get3A_96, %get3A_97] : memref<1x128xf32, #tpu.memory_space<vmem>>, vector<1x128xf32>
    %add3A_99 = vector.broadcast %get3A_98 : vector<1x128xf32> to vector<128x128xf32>
    %add3A_100 = arith.addf %dot_general3A_95, %add3A_99 : vector<128x128xf32>
    %get3A_101 = arith.constant 0 : index
    %get3A_102 = arith.constant 1 : index
    %get3A_103 = arith.constant 0 : index
    %get3A_104 = arith.constant 0 : index
    %get3A_105 = vector.load %arg5[%get3A_101, %get3A_102, %get3A_103, %get3A_104] : memref<1x32x128x128xf32, #tpu.memory_space<vmem>>, vector<1x1x128x128xf32>
    %get3A_106 = vector.shape_cast %get3A_105 : vector<1x1x128x128xf32> to vector<128x128xf32>
    %mul3A_107 = arith.mulf %add3A_100, %get3A_106 : vector<128x128xf32>
    %slice3A_108 = vector.extract_strided_slice %mul3A {offsets = [0, 1], sizes = [128, 1], strides = [1, 1]} : vector<128x32xf32> to vector<128x1xf32>
    %mul3A_109 = vector.broadcast %slice3A_108 : vector<128x1xf32> to vector<128x128xf32>
    %mul3A_110 = arith.mulf %mul3A_107, %mul3A_109 : vector<128x128xf32>
    %add3A_111 = arith.addf %add3A_55, %mul3A_110 : vector<128x128xf32>
    %get3A_112 = arith.constant 0 : index
    %get3A_113 = arith.constant 0 : index
    %get3A_114 = arith.constant 2 : index
    %get3A_115 = arith.constant 0 : index
    %get3A_116 = vector.load %arg2[%get3A_112, %get3A_113, %get3A_114, %get3A_115] : memref<1x25x32x128xf32, #tpu.memory_space<vmem>>, vector<1x25x1x128xf32>
    %get3A_117 = vector.shape_cast %get3A_116 : vector<1x25x1x128xf32> to vector<25x128xf32>
    %get3A_118 = arith.constant 0 : index
    %get3A_119 = arith.constant 0 : index
    %get3A_120 = vector.load %arg6[%get3A_118, %get3A_119] : memref<25x128xf32, #tpu.memory_space<vmem>>, vector<25x128xf32>
    %dot_general3A_121 = arith.constant dense<0.000000e+00> : vector<128x128xf32>
    %dot_general3A_122 = tpu.matmul %get3A_117, %get3A_120, %dot_general3A_121 {dimension_numbers = #tpu.dot_dimension_numbers<[0], [0], [1], [1], [0, 1, 1, 1], [], []>, transpose_lhs_hint = false} : vector<25x128xf32>, vector<25x128xf32>, vector<128x128xf32> -> vector<128x128xf32>
    %get3A_123 = arith.constant 0 : index
    %get3A_124 = arith.constant 0 : index
    %get3A_125 = vector.load %arg7[%get3A_123, %get3A_124] : memref<1x128xf32, #tpu.memory_space<vmem>>, vector<1x128xf32>
    %add3A_126 = vector.broadcast %get3A_125 : vector<1x128xf32> to vector<128x128xf32>
    %add3A_127 = arith.addf %dot_general3A_122, %add3A_126 : vector<128x128xf32>
    %custom_jvp_call3A_128 = arith.constant 0.000000e+00 : f32
    %max3A_129 = vector.broadcast %custom_jvp_call3A_128 : f32 to vector<128x128xf32>
    %max3A_130 = arith.maximumf %add3A_127, %max3A_129 : vector<128x128xf32>
    %sub3A_131 = vector.broadcast %custom_jvp_call3A_128 : f32 to vector<128x128xf32>
    %sub3A_132 = arith.subf %add3A_127, %sub3A_131 : vector<128x128xf32>
    %ne3A_133 = arith.cmpf one, %sub3A_132, %sub3A_132 : vector<128x128xf32>
    %add3A_134 = vector.broadcast %custom_jvp_call3A_128 : f32 to vector<128x128xf32>
    %add3A_135 = arith.addf %add3A_127, %add3A_134 : vector<128x128xf32>
    %abs3A_136 = math.absf %sub3A_132 : vector<128x128xf32>
    %neg3A_137 = arith.constant 0.000000e+00 : f32
    %neg3A_138 = vector.broadcast %neg3A_137 : f32 to vector<128x128xf32>
    %neg3A_139 = arith.subf %neg3A_138, %abs3A_136 : vector<128x128xf32>
    %exp3A_140 = math.exp %neg3A_139 : vector<128x128xf32>
    %log1p3A_141 = math.log1p %exp3A_140 : vector<128x128xf32>
    %add3A_142 = arith.addf %max3A_130, %log1p3A_141 : vector<128x128xf32>
    %select_n3A_143 = arith.select %ne3A_133, %add3A_135, %add3A_142 : vector<128x128xi1>, vector<128x128xf32>
    %sub3A_144 = arith.constant 0.693147182 : f32
    %sub3A_145 = vector.broadcast %sub3A_144 : f32 to vector<128x128xf32>
    %sub3A_146 = arith.subf %select_n3A_143, %sub3A_145 : vector<128x128xf32>
    %get3A_147 = arith.constant 0 : index
    %get3A_148 = arith.constant 0 : index
    %get3A_149 = vector.load %arg8[%get3A_147, %get3A_148] : memref<128x128xf32, #tpu.memory_space<vmem>>, vector<128x128xf32>
    %dot_general3A_150 = arith.constant dense<0.000000e+00> : vector<128x128xf32>
    %dot_general3A_151 = tpu.matmul %sub3A_146, %get3A_149, %dot_general3A_150 {dimension_numbers = #tpu.dot_dimension_numbers<[1], [0], [0], [1], [0, 0, 1, 1], [], []>, transpose_lhs_hint = false} : vector<128x128xf32>, vector<128x128xf32>, vector<128x128xf32> -> vector<128x128xf32>
    %get3A_152 = arith.constant 0 : index
    %get3A_153 = arith.constant 0 : index
    %get3A_154 = vector.load %arg9[%get3A_152, %get3A_153] : memref<1x128xf32, #tpu.memory_space<vmem>>, vector<1x128xf32>
    %add3A_155 = vector.broadcast %get3A_154 : vector<1x128xf32> to vector<128x128xf32>
    %add3A_156 = arith.addf %dot_general3A_151, %add3A_155 : vector<128x128xf32>
    %get3A_157 = arith.constant 0 : index
    %get3A_158 = arith.constant 2 : index
    %get3A_159 = arith.constant 0 : index
    %get3A_160 = arith.constant 0 : index
    %get3A_161 = vector.load %arg5[%get3A_157, %get3A_158, %get3A_159, %get3A_160] : memref<1x32x128x128xf32, #tpu.memory_space<vmem>>, vector<1x1x128x128xf32>
    %get3A_162 = vector.shape_cast %get3A_161 : vector<1x1x128x128xf32> to vector<128x128xf32>
    %mul3A_163 = arith.mulf %add3A_156, %get3A_162 : vector<128x128xf32>
    %slice3A_164 = vector.extract_strided_slice %mul3A {offsets = [0, 2], sizes = [128, 1], strides = [1, 1]} : vector<128x32xf32> to vector<128x1xf32>
    %mul3A_165 = vector.broadcast %slice3A_164 : vector<128x1xf32> to vector<128x128xf32>
    %mul3A_166 = arith.mulf %mul3A_163, %mul3A_165 : vector<128x128xf32>
    %add3A_167 = arith.addf %add3A_111, %mul3A_166 : vector<128x128xf32>
    %get3A_168 = arith.constant 0 : index
    %get3A_169 = arith.constant 0 : index
    %get3A_170 = arith.constant 3 : index
    %get3A_171 = arith.constant 0 : index
    %get3A_172 = vector.load %arg2[%get3A_168, %get3A_169, %get3A_170, %get3A_171] : memref<1x25x32x128xf32, #tpu.memory_space<vmem>>, vector<1x25x1x128xf32>
    %get3A_173 = vector.shape_cast %get3A_172 : vector<1x25x1x128xf32> to vector<25x128xf32>
    %get3A_174 = arith.constant 0 : index
    %get3A_175 = arith.constant 0 : index
    %get3A_176 = vector.load %arg6[%get3A_174, %get3A_175] : memref<25x128xf32, #tpu.memory_space<vmem>>, vector<25x128xf32>
    %dot_general3A_177 = arith.constant dense<0.000000e+00> : vector<128x128xf32>
    %dot_general3A_178 = tpu.matmul %get3A_173, %get3A_176, %dot_general3A_177 {dimension_numbers = #tpu.dot_dimension_numbers<[0], [0], [1], [1], [0, 1, 1, 1], [], []>, transpose_lhs_hint = false} : vector<25x128xf32>, vector<25x128xf32>, vector<128x128xf32> -> vector<128x128xf32>
    %get3A_179 = arith.constant 0 : index
    %get3A_180 = arith.constant 0 : index
    %get3A_181 = vector.load %arg7[%get3A_179, %get3A_180] : memref<1x128xf32, #tpu.memory_space<vmem>>, vector<1x128xf32>
    %add3A_182 = vector.broadcast %get3A_181 : vector<1x128xf32> to vector<128x128xf32>
    %add3A_183 = arith.addf %dot_general3A_178, %add3A_182 : vector<128x128xf32>
    %custom_jvp_call3A_184 = arith.constant 0.000000e+00 : f32
    %max3A_185 = vector.broadcast %custom_jvp_call3A_184 : f32 to vector<128x128xf32>
    %max3A_186 = arith.maximumf %add3A_183, %max3A_185 : vector<128x128xf32>
    %sub3A_187 = vector.broadcast %custom_jvp_call3A_184 : f32 to vector<128x128xf32>
    %sub3A_188 = arith.subf %add3A_183, %sub3A_187 : vector<128x128xf32>
    %ne3A_189 = arith.cmpf one, %sub3A_188, %sub3A_188 : vector<128x128xf32>
    %add3A_190 = vector.broadcast %custom_jvp_call3A_184 : f32 to vector<128x128xf32>
    %add3A_191 = arith.addf %add3A_183, %add3A_190 : vector<128x128xf32>
    %abs3A_192 = math.absf %sub3A_188 : vector<128x128xf32>
    %neg3A_193 = arith.constant 0.000000e+00 : f32
    %neg3A_194 = vector.broadcast %neg3A_193 : f32 to vector<128x128xf32>
    %neg3A_195 = arith.subf %neg3A_194, %abs3A_192 : vector<128x128xf32>
    %exp3A_196 = math.exp %neg3A_195 : vector<128x128xf32>
    %log1p3A_197 = math.log1p %exp3A_196 : vector<128x128xf32>
    %add3A_198 = arith.addf %max3A_186, %log1p3A_197 : vector<128x128xf32>
    %select_n3A_199 = arith.select %ne3A_189, %add3A_191, %add3A_198 : vector<128x128xi1>, vector<128x128xf32>
    %sub3A_200 = arith.constant 0.693147182 : f32
    %sub3A_201 = vector.broadcast %sub3A_200 : f32 to vector<128x128xf32>
    %sub3A_202 = arith.subf %select_n3A_199, %sub3A_201 : vector<128x128xf32>
    %get3A_203 = arith.constant 0 : index
    %get3A_204 = arith.constant 0 : index
    %get3A_205 = vector.load %arg8[%get3A_203, %get3A_204] : memref<128x128xf32, #tpu.memory_space<vmem>>, vector<128x128xf32>
    %dot_general3A_206 = arith.constant dense<0.000000e+00> : vector<128x128xf32>
    %dot_general3A_207 = tpu.matmul %sub3A_202, %get3A_205, %dot_general3A_206 {dimension_numbers = #tpu.dot_dimension_numbers<[1], [0], [0], [1], [0, 0, 1, 1], [], []>, transpose_lhs_hint = false} : vector<128x128xf32>, vector<128x128xf32>, vector<128x128xf32> -> vector<128x128xf32>
    %get3A_208 = arith.constant 0 : index
    %get3A_209 = arith.constant 0 : index
    %get3A_210 = vector.load %arg9[%get3A_208, %get3A_209] : memref<1x128xf32, #tpu.memory_space<vmem>>, vector<1x128xf32>
    %add3A_211 = vector.broadcast %get3A_210 : vector<1x128xf32> to vector<128x128xf32>
    %add3A_212 = arith.addf %dot_general3A_207, %add3A_211 : vector<128x128xf32>
    %get3A_213 = arith.constant 0 : index
    %get3A_214 = arith.constant 3 : index
    %get3A_215 = arith.constant 0 : index
    %get3A_216 = arith.constant 0 : index
    %get3A_217 = vector.load %arg5[%get3A_213, %get3A_214, %get3A_215, %get3A_216] : memref<1x32x128x128xf32, #tpu.memory_space<vmem>>, vector<1x1x128x128xf32>
    %get3A_218 = vector.shape_cast %get3A_217 : vector<1x1x128x128xf32> to vector<128x128xf32>
    %mul3A_219 = arith.mulf %add3A_212, %get3A_218 : vector<128x128xf32>
    %slice3A_220 = vector.extract_strided_slice %mul3A {offsets = [0, 3], sizes = [128, 1], strides = [1, 1]} : vector<128x32xf32> to vector<128x1xf32>
    %mul3A_221 = vector.broadcast %slice3A_220 : vector<128x1xf32> to vector<128x128xf32>
    %mul3A_222 = arith.mulf %mul3A_219, %mul3A_221 : vector<128x128xf32>
    %add3A_223 = arith.addf %add3A_167, %mul3A_222 : vector<128x128xf32>
    %get3A_224 = arith.constant 0 : index
    %get3A_225 = arith.constant 0 : index
    %get3A_226 = arith.constant 4 : index
    %get3A_227 = arith.constant 0 : index
    %get3A_228 = vector.load %arg2[%get3A_224, %get3A_225, %get3A_226, %get3A_227] : memref<1x25x32x128xf32, #tpu.memory_space<vmem>>, vector<1x25x1x128xf32>
    %get3A_229 = vector.shape_cast %get3A_228 : vector<1x25x1x128xf32> to vector<25x128xf32>
    %get3A_230 = arith.constant 0 : index
    %get3A_231 = arith.constant 0 : index
    %get3A_232 = vector.load %arg6[%get3A_230, %get3A_231] : memref<25x128xf32, #tpu.memory_space<vmem>>, vector<25x128xf32>
    %dot_general3A_233 = arith.constant dense<0.000000e+00> : vector<128x128xf32>
    %dot_general3A_234 = tpu.matmul %get3A_229, %get3A_232, %dot_general3A_233 {dimension_numbers = #tpu.dot_dimension_numbers<[0], [0], [1], [1], [0, 1, 1, 1], [], []>, transpose_lhs_hint = false} : vector<25x128xf32>, vector<25x128xf32>, vector<128x128xf32> -> vector<128x128xf32>
    %get3A_235 = arith.constant 0 : index
    %get3A_236 = arith.constant 0 : index
    %get3A_237 = vector.load %arg7[%get3A_235, %get3A_236] : memref<1x128xf32, #tpu.memory_space<vmem>>, vector<1x128xf32>
    %add3A_238 = vector.broadcast %get3A_237 : vector<1x128xf32> to vector<128x128xf32>
    %add3A_239 = arith.addf %dot_general3A_234, %add3A_238 : vector<128x128xf32>
    %custom_jvp_call3A_240 = arith.constant 0.000000e+00 : f32
    %max3A_241 = vector.broadcast %custom_jvp_call3A_240 : f32 to vector<128x128xf32>
    %max3A_242 = arith.maximumf %add3A_239, %max3A_241 : vector<128x128xf32>
    %sub3A_243 = vector.broadcast %custom_jvp_call3A_240 : f32 to vector<128x128xf32>
    %sub3A_244 = arith.subf %add3A_239, %sub3A_243 : vector<128x128xf32>
    %ne3A_245 = arith.cmpf one, %sub3A_244, %sub3A_244 : vector<128x128xf32>
    %add3A_246 = vector.broadcast %custom_jvp_call3A_240 : f32 to vector<128x128xf32>
    %add3A_247 = arith.addf %add3A_239, %add3A_246 : vector<128x128xf32>
    %abs3A_248 = math.absf %sub3A_244 : vector<128x128xf32>
    %neg3A_249 = arith.constant 0.000000e+00 : f32
    %neg3A_250 = vector.broadcast %neg3A_249 : f32 to vector<128x128xf32>
    %neg3A_251 = arith.subf %neg3A_250, %abs3A_248 : vector<128x128xf32>
    %exp3A_252 = math.exp %neg3A_251 : vector<128x128xf32>
    %log1p3A_253 = math.log1p %exp3A_252 : vector<128x128xf32>
    %add3A_254 = arith.addf %max3A_242, %log1p3A_253 : vector<128x128xf32>
    %select_n3A_255 = arith.select %ne3A_245, %add3A_247, %add3A_254 : vector<128x128xi1>, vector<128x128xf32>
    %sub3A_256 = arith.constant 0.693147182 : f32
    %sub3A_257 = vector.broadcast %sub3A_256 : f32 to vector<128x128xf32>
    %sub3A_258 = arith.subf %select_n3A_255, %sub3A_257 : vector<128x128xf32>
    %get3A_259 = arith.constant 0 : index
    %get3A_260 = arith.constant 0 : index
    %get3A_261 = vector.load %arg8[%get3A_259, %get3A_260] : memref<128x128xf32, #tpu.memory_space<vmem>>, vector<128x128xf32>
    %dot_general3A_262 = arith.constant dense<0.000000e+00> : vector<128x128xf32>
    %dot_general3A_263 = tpu.matmul %sub3A_258, %get3A_261, %dot_general3A_262 {dimension_numbers = #tpu.dot_dimension_numbers<[1], [0], [0], [1], [0, 0, 1, 1], [], []>, transpose_lhs_hint = false} : vector<128x128xf32>, vector<128x128xf32>, vector<128x128xf32> -> vector<128x128xf32>
    %get3A_264 = arith.constant 0 : index
    %get3A_265 = arith.constant 0 : index
    %get3A_266 = vector.load %arg9[%get3A_264, %get3A_265] : memref<1x128xf32, #tpu.memory_space<vmem>>, vector<1x128xf32>
    %add3A_267 = vector.broadcast %get3A_266 : vector<1x128xf32> to vector<128x128xf32>
    %add3A_268 = arith.addf %dot_general3A_263, %add3A_267 : vector<128x128xf32>
    %get3A_269 = arith.constant 0 : index
    %get3A_270 = arith.constant 4 : index
    %get3A_271 = arith.constant 0 : index
    %get3A_272 = arith.constant 0 : index
    %get3A_273 = vector.load %arg5[%get3A_269, %get3A_270, %get3A_271, %get3A_272] : memref<1x32x128x128xf32, #tpu.memory_space<vmem>>, vector<1x1x128x128xf32>
    %get3A_274 = vector.shape_cast %get3A_273 : vector<1x1x128x128xf32> to vector<128x128xf32>
    %mul3A_275 = arith.mulf %add3A_268, %get3A_274 : vector<128x128xf32>
    %slice3A_276 = vector.extract_strided_slice %mul3A {offsets = [0, 4], sizes = [128, 1], strides = [1, 1]} : vector<128x32xf32> to vector<128x1xf32>
    %mul3A_277 = vector.broadcast %slice3A_276 : vector<128x1xf32> to vector<128x128xf32>
    %mul3A_278 = arith.mulf %mul3A_275, %mul3A_277 : vector<128x128xf32>
    %add3A_279 = arith.addf %add3A_223, %mul3A_278 : vector<128x128xf32>
    %get3A_280 = arith.constant 0 : index
    %get3A_281 = arith.constant 0 : index
    %get3A_282 = arith.constant 5 : index
    %get3A_283 = arith.constant 0 : index
    %get3A_284 = vector.load %arg2[%get3A_280, %get3A_281, %get3A_282, %get3A_283] : memref<1x25x32x128xf32, #tpu.memory_space<vmem>>, vector<1x25x1x128xf32>
    %get3A_285 = vector.shape_cast %get3A_284 : vector<1x25x1x128xf32> to vector<25x128xf32>
    %get3A_286 = arith.constant 0 : index
    %get3A_287 = arith.constant 0 : index
    %get3A_288 = vector.load %arg6[%get3A_286, %get3A_287] : memref<25x128xf32, #tpu.memory_space<vmem>>, vector<25x128xf32>
    %dot_general3A_289 = arith.constant dense<0.000000e+00> : vector<128x128xf32>
    %dot_general3A_290 = tpu.matmul %get3A_285, %get3A_288, %dot_general3A_289 {dimension_numbers = #tpu.dot_dimension_numbers<[0], [0], [1], [1], [0, 1, 1, 1], [], []>, transpose_lhs_hint = false} : vector<25x128xf32>, vector<25x128xf32>, vector<128x128xf32> -> vector<128x128xf32>
    %get3A_291 = arith.constant 0 : index
    %get3A_292 = arith.constant 0 : index
    %get3A_293 = vector.load %arg7[%get3A_291, %get3A_292] : memref<1x128xf32, #tpu.memory_space<vmem>>, vector<1x128xf32>
    %add3A_294 = vector.broadcast %get3A_293 : vector<1x128xf32> to vector<128x128xf32>
    %add3A_295 = arith.addf %dot_general3A_290, %add3A_294 : vector<128x128xf32>
    %custom_jvp_call3A_296 = arith.constant 0.000000e+00 : f32
    %max3A_297 = vector.broadcast %custom_jvp_call3A_296 : f32 to vector<128x128xf32>
    %max3A_298 = arith.maximumf %add3A_295, %max3A_297 : vector<128x128xf32>
    %sub3A_299 = vector.broadcast %custom_jvp_call3A_296 : f32 to vector<128x128xf32>
    %sub3A_300 = arith.subf %add3A_295, %sub3A_299 : vector<128x128xf32>
    %ne3A_301 = arith.cmpf one, %sub3A_300, %sub3A_300 : vector<128x128xf32>
    %add3A_302 = vector.broadcast %custom_jvp_call3A_296 : f32 to vector<128x128xf32>
    %add3A_303 = arith.addf %add3A_295, %add3A_302 : vector<128x128xf32>
    %abs3A_304 = math.absf %sub3A_300 : vector<128x128xf32>
    %neg3A_305 = arith.constant 0.000000e+00 : f32
    %neg3A_306 = vector.broadcast %neg3A_305 : f32 to vector<128x128xf32>
    %neg3A_307 = arith.subf %neg3A_306, %abs3A_304 : vector<128x128xf32>
    %exp3A_308 = math.exp %neg3A_307 : vector<128x128xf32>
    %log1p3A_309 = math.log1p %exp3A_308 : vector<128x128xf32>
    %add3A_310 = arith.addf %max3A_298, %log1p3A_309 : vector<128x128xf32>
    %select_n3A_311 = arith.select %ne3A_301, %add3A_303, %add3A_310 : vector<128x128xi1>, vector<128x128xf32>
    %sub3A_312 = arith.constant 0.693147182 : f32
    %sub3A_313 = vector.broadcast %sub3A_312 : f32 to vector<128x128xf32>
    %sub3A_314 = arith.subf %select_n3A_311, %sub3A_313 : vector<128x128xf32>
    %get3A_315 = arith.constant 0 : index
    %get3A_316 = arith.constant 0 : index
    %get3A_317 = vector.load %arg8[%get3A_315, %get3A_316] : memref<128x128xf32, #tpu.memory_space<vmem>>, vector<128x128xf32>
    %dot_general3A_318 = arith.constant dense<0.000000e+00> : vector<128x128xf32>
    %dot_general3A_319 = tpu.matmul %sub3A_314, %get3A_317, %dot_general3A_318 {dimension_numbers = #tpu.dot_dimension_numbers<[1], [0], [0], [1], [0, 0, 1, 1], [], []>, transpose_lhs_hint = false} : vector<128x128xf32>, vector<128x128xf32>, vector<128x128xf32> -> vector<128x128xf32>
    %get3A_320 = arith.constant 0 : index
    %get3A_321 = arith.constant 0 : index
    %get3A_322 = vector.load %arg9[%get3A_320, %get3A_321] : memref<1x128xf32, #tpu.memory_space<vmem>>, vector<1x128xf32>
    %add3A_323 = vector.broadcast %get3A_322 : vector<1x128xf32> to vector<128x128xf32>
    %add3A_324 = arith.addf %dot_general3A_319, %add3A_323 : vector<128x128xf32>
    %get3A_325 = arith.constant 0 : index
    %get3A_326 = arith.constant 5 : index
    %get3A_327 = arith.constant 0 : index
    %get3A_328 = arith.constant 0 : index
    %get3A_329 = vector.load %arg5[%get3A_325, %get3A_326, %get3A_327, %get3A_328] : memref<1x32x128x128xf32, #tpu.memory_space<vmem>>, vector<1x1x128x128xf32>
    %get3A_330 = vector.shape_cast %get3A_329 : vector<1x1x128x128xf32> to vector<128x128xf32>
    %mul3A_331 = arith.mulf %add3A_324, %get3A_330 : vector<128x128xf32>
    %slice3A_332 = vector.extract_strided_slice %mul3A {offsets = [0, 5], sizes = [128, 1], strides = [1, 1]} : vector<128x32xf32> to vector<128x1xf32>
    %mul3A_333 = vector.broadcast %slice3A_332 : vector<128x1xf32> to vector<128x128xf32>
    %mul3A_334 = arith.mulf %mul3A_331, %mul3A_333 : vector<128x128xf32>
    %add3A_335 = arith.addf %add3A_279, %mul3A_334 : vector<128x128xf32>
    %get3A_336 = arith.constant 0 : index
    %get3A_337 = arith.constant 0 : index
    %get3A_338 = arith.constant 6 : index
    %get3A_339 = arith.constant 0 : index
    %get3A_340 = vector.load %arg2[%get3A_336, %get3A_337, %get3A_338, %get3A_339] : memref<1x25x32x128xf32, #tpu.memory_space<vmem>>, vector<1x25x1x128xf32>
    %get3A_341 = vector.shape_cast %get3A_340 : vector<1x25x1x128xf32> to vector<25x128xf32>
    %get3A_342 = arith.constant 0 : index
    %get3A_343 = arith.constant 0 : index
    %get3A_344 = vector.load %arg6[%get3A_342, %get3A_343] : memref<25x128xf32, #tpu.memory_space<vmem>>, vector<25x128xf32>
    %dot_general3A_345 = arith.constant dense<0.000000e+00> : vector<128x128xf32>
    %dot_general3A_346 = tpu.matmul %get3A_341, %get3A_344, %dot_general3A_345 {dimension_numbers = #tpu.dot_dimension_numbers<[0], [0], [1], [1], [0, 1, 1, 1], [], []>, transpose_lhs_hint = false} : vector<25x128xf32>, vector<25x128xf32>, vector<128x128xf32> -> vector<128x128xf32>
    %get3A_347 = arith.constant 0 : index
    %get3A_348 = arith.constant 0 : index
    %get3A_349 = vector.load %arg7[%get3A_347, %get3A_348] : memref<1x128xf32, #tpu.memory_space<vmem>>, vector<1x128xf32>
    %add3A_350 = vector.broadcast %get3A_349 : vector<1x128xf32> to vector<128x128xf32>
    %add3A_351 = arith.addf %dot_general3A_346, %add3A_350 : vector<128x128xf32>
    %custom_jvp_call3A_352 = arith.constant 0.000000e+00 : f32
    %max3A_353 = vector.broadcast %custom_jvp_call3A_352 : f32 to vector<128x128xf32>
    %max3A_354 = arith.maximumf %add3A_351, %max3A_353 : vector<128x128xf32>
    %sub3A_355 = vector.broadcast %custom_jvp_call3A_352 : f32 to vector<128x128xf32>
    %sub3A_356 = arith.subf %add3A_351, %sub3A_355 : vector<128x128xf32>
    %ne3A_357 = arith.cmpf one, %sub3A_356, %sub3A_356 : vector<128x128xf32>
    %add3A_358 = vector.broadcast %custom_jvp_call3A_352 : f32 to vector<128x128xf32>
    %add3A_359 = arith.addf %add3A_351, %add3A_358 : vector<128x128xf32>
    %abs3A_360 = math.absf %sub3A_356 : vector<128x128xf32>
    %neg3A_361 = arith.constant 0.000000e+00 : f32
    %neg3A_362 = vector.broadcast %neg3A_361 : f32 to vector<128x128xf32>
    %neg3A_363 = arith.subf %neg3A_362, %abs3A_360 : vector<128x128xf32>
    %exp3A_364 = math.exp %neg3A_363 : vector<128x128xf32>
    %log1p3A_365 = math.log1p %exp3A_364 : vector<128x128xf32>
    %add3A_366 = arith.addf %max3A_354, %log1p3A_365 : vector<128x128xf32>
    %select_n3A_367 = arith.select %ne3A_357, %add3A_359, %add3A_366 : vector<128x128xi1>, vector<128x128xf32>
    %sub3A_368 = arith.constant 0.693147182 : f32
    %sub3A_369 = vector.broadcast %sub3A_368 : f32 to vector<128x128xf32>
    %sub3A_370 = arith.subf %select_n3A_367, %sub3A_369 : vector<128x128xf32>
    %get3A_371 = arith.constant 0 : index
    %get3A_372 = arith.constant 0 : index
    %get3A_373 = vector.load %arg8[%get3A_371, %get3A_372] : memref<128x128xf32, #tpu.memory_space<vmem>>, vector<128x128xf32>
    %dot_general3A_374 = arith.constant dense<0.000000e+00> : vector<128x128xf32>
    %dot_general3A_375 = tpu.matmul %sub3A_370, %get3A_373, %dot_general3A_374 {dimension_numbers = #tpu.dot_dimension_numbers<[1], [0], [0], [1], [0, 0, 1, 1], [], []>, transpose_lhs_hint = false} : vector<128x128xf32>, vector<128x128xf32>, vector<128x128xf32> -> vector<128x128xf32>
    %get3A_376 = arith.constant 0 : index
    %get3A_377 = arith.constant 0 : index
    %get3A_378 = vector.load %arg9[%get3A_376, %get3A_377] : memref<1x128xf32, #tpu.memory_space<vmem>>, vector<1x128xf32>
    %add3A_379 = vector.broadcast %get3A_378 : vector<1x128xf32> to vector<128x128xf32>
    %add3A_380 = arith.addf %dot_general3A_375, %add3A_379 : vector<128x128xf32>
    %get3A_381 = arith.constant 0 : index
    %get3A_382 = arith.constant 6 : index
    %get3A_383 = arith.constant 0 : index
    %get3A_384 = arith.constant 0 : index
    %get3A_385 = vector.load %arg5[%get3A_381, %get3A_382, %get3A_383, %get3A_384] : memref<1x32x128x128xf32, #tpu.memory_space<vmem>>, vector<1x1x128x128xf32>
    %get3A_386 = vector.shape_cast %get3A_385 : vector<1x1x128x128xf32> to vector<128x128xf32>
    %mul3A_387 = arith.mulf %add3A_380, %get3A_386 : vector<128x128xf32>
    %slice3A_388 = vector.extract_strided_slice %mul3A {offsets = [0, 6], sizes = [128, 1], strides = [1, 1]} : vector<128x32xf32> to vector<128x1xf32>
    %mul3A_389 = vector.broadcast %slice3A_388 : vector<128x1xf32> to vector<128x128xf32>
    %mul3A_390 = arith.mulf %mul3A_387, %mul3A_389 : vector<128x128xf32>
    %add3A_391 = arith.addf %add3A_335, %mul3A_390 : vector<128x128xf32>
    %get3A_392 = arith.constant 0 : index
    %get3A_393 = arith.constant 0 : index
    %get3A_394 = arith.constant 7 : index
    %get3A_395 = arith.constant 0 : index
    %get3A_396 = vector.load %arg2[%get3A_392, %get3A_393, %get3A_394, %get3A_395] : memref<1x25x32x128xf32, #tpu.memory_space<vmem>>, vector<1x25x1x128xf32>
    %get3A_397 = vector.shape_cast %get3A_396 : vector<1x25x1x128xf32> to vector<25x128xf32>
    %get3A_398 = arith.constant 0 : index
    %get3A_399 = arith.constant 0 : index
    %get3A_400 = vector.load %arg6[%get3A_398, %get3A_399] : memref<25x128xf32, #tpu.memory_space<vmem>>, vector<25x128xf32>
    %dot_general3A_401 = arith.constant dense<0.000000e+00> : vector<128x128xf32>
    %dot_general3A_402 = tpu.matmul %get3A_397, %get3A_400, %dot_general3A_401 {dimension_numbers = #tpu.dot_dimension_numbers<[0], [0], [1], [1], [0, 1, 1, 1], [], []>, transpose_lhs_hint = false} : vector<25x128xf32>, vector<25x128xf32>, vector<128x128xf32> -> vector<128x128xf32>
    %get3A_403 = arith.constant 0 : index
    %get3A_404 = arith.constant 0 : index
    %get3A_405 = vector.load %arg7[%get3A_403, %get3A_404] : memref<1x128xf32, #tpu.memory_space<vmem>>, vector<1x128xf32>
    %add3A_406 = vector.broadcast %get3A_405 : vector<1x128xf32> to vector<128x128xf32>
    %add3A_407 = arith.addf %dot_general3A_402, %add3A_406 : vector<128x128xf32>
    %custom_jvp_call3A_408 = arith.constant 0.000000e+00 : f32
    %max3A_409 = vector.broadcast %custom_jvp_call3A_408 : f32 to vector<128x128xf32>
    %max3A_410 = arith.maximumf %add3A_407, %max3A_409 : vector<128x128xf32>
    %sub3A_411 = vector.broadcast %custom_jvp_call3A_408 : f32 to vector<128x128xf32>
    %sub3A_412 = arith.subf %add3A_407, %sub3A_411 : vector<128x128xf32>
    %ne3A_413 = arith.cmpf one, %sub3A_412, %sub3A_412 : vector<128x128xf32>
    %add3A_414 = vector.broadcast %custom_jvp_call3A_408 : f32 to vector<128x128xf32>
    %add3A_415 = arith.addf %add3A_407, %add3A_414 : vector<128x128xf32>
    %abs3A_416 = math.absf %sub3A_412 : vector<128x128xf32>
    %neg3A_417 = arith.constant 0.000000e+00 : f32
    %neg3A_418 = vector.broadcast %neg3A_417 : f32 to vector<128x128xf32>
    %neg3A_419 = arith.subf %neg3A_418, %abs3A_416 : vector<128x128xf32>
    %exp3A_420 = math.exp %neg3A_419 : vector<128x128xf32>
    %log1p3A_421 = math.log1p %exp3A_420 : vector<128x128xf32>
    %add3A_422 = arith.addf %max3A_410, %log1p3A_421 : vector<128x128xf32>
    %select_n3A_423 = arith.select %ne3A_413, %add3A_415, %add3A_422 : vector<128x128xi1>, vector<128x128xf32>
    %sub3A_424 = arith.constant 0.693147182 : f32
    %sub3A_425 = vector.broadcast %sub3A_424 : f32 to vector<128x128xf32>
    %sub3A_426 = arith.subf %select_n3A_423, %sub3A_425 : vector<128x128xf32>
    %get3A_427 = arith.constant 0 : index
    %get3A_428 = arith.constant 0 : index
    %get3A_429 = vector.load %arg8[%get3A_427, %get3A_428] : memref<128x128xf32, #tpu.memory_space<vmem>>, vector<128x128xf32>
    %dot_general3A_430 = arith.constant dense<0.000000e+00> : vector<128x128xf32>
    %dot_general3A_431 = tpu.matmul %sub3A_426, %get3A_429, %dot_general3A_430 {dimension_numbers = #tpu.dot_dimension_numbers<[1], [0], [0], [1], [0, 0, 1, 1], [], []>, transpose_lhs_hint = false} : vector<128x128xf32>, vector<128x128xf32>, vector<128x128xf32> -> vector<128x128xf32>
    %get3A_432 = arith.constant 0 : index
    %get3A_433 = arith.constant 0 : index
    %get3A_434 = vector.load %arg9[%get3A_432, %get3A_433] : memref<1x128xf32, #tpu.memory_space<vmem>>, vector<1x128xf32>
    %add3A_435 = vector.broadcast %get3A_434 : vector<1x128xf32> to vector<128x128xf32>
    %add3A_436 = arith.addf %dot_general3A_431, %add3A_435 : vector<128x128xf32>
    %get3A_437 = arith.constant 0 : index
    %get3A_438 = arith.constant 7 : index
    %get3A_439 = arith.constant 0 : index
    %get3A_440 = arith.constant 0 : index
    %get3A_441 = vector.load %arg5[%get3A_437, %get3A_438, %get3A_439, %get3A_440] : memref<1x32x128x128xf32, #tpu.memory_space<vmem>>, vector<1x1x128x128xf32>
    %get3A_442 = vector.shape_cast %get3A_441 : vector<1x1x128x128xf32> to vector<128x128xf32>
    %mul3A_443 = arith.mulf %add3A_436, %get3A_442 : vector<128x128xf32>
    %slice3A_444 = vector.extract_strided_slice %mul3A {offsets = [0, 7], sizes = [128, 1], strides = [1, 1]} : vector<128x32xf32> to vector<128x1xf32>
    %mul3A_445 = vector.broadcast %slice3A_444 : vector<128x1xf32> to vector<128x128xf32>
    %mul3A_446 = arith.mulf %mul3A_443, %mul3A_445 : vector<128x128xf32>
    %add3A_447 = arith.addf %add3A_391, %mul3A_446 : vector<128x128xf32>
    %get3A_448 = arith.constant 0 : index
    %get3A_449 = arith.constant 0 : index
    %get3A_450 = arith.constant 8 : index
    %get3A_451 = arith.constant 0 : index
    %get3A_452 = vector.load %arg2[%get3A_448, %get3A_449, %get3A_450, %get3A_451] : memref<1x25x32x128xf32, #tpu.memory_space<vmem>>, vector<1x25x1x128xf32>
    %get3A_453 = vector.shape_cast %get3A_452 : vector<1x25x1x128xf32> to vector<25x128xf32>
    %get3A_454 = arith.constant 0 : index
    %get3A_455 = arith.constant 0 : index
    %get3A_456 = vector.load %arg6[%get3A_454, %get3A_455] : memref<25x128xf32, #tpu.memory_space<vmem>>, vector<25x128xf32>
    %dot_general3A_457 = arith.constant dense<0.000000e+00> : vector<128x128xf32>
    %dot_general3A_458 = tpu.matmul %get3A_453, %get3A_456, %dot_general3A_457 {dimension_numbers = #tpu.dot_dimension_numbers<[0], [0], [1], [1], [0, 1, 1, 1], [], []>, transpose_lhs_hint = false} : vector<25x128xf32>, vector<25x128xf32>, vector<128x128xf32> -> vector<128x128xf32>
    %get3A_459 = arith.constant 0 : index
    %get3A_460 = arith.constant 0 : index
    %get3A_461 = vector.load %arg7[%get3A_459, %get3A_460] : memref<1x128xf32, #tpu.memory_space<vmem>>, vector<1x128xf32>
    %add3A_462 = vector.broadcast %get3A_461 : vector<1x128xf32> to vector<128x128xf32>
    %add3A_463 = arith.addf %dot_general3A_458, %add3A_462 : vector<128x128xf32>
    %custom_jvp_call3A_464 = arith.constant 0.000000e+00 : f32
    %max3A_465 = vector.broadcast %custom_jvp_call3A_464 : f32 to vector<128x128xf32>
    %max3A_466 = arith.maximumf %add3A_463, %max3A_465 : vector<128x128xf32>
    %sub3A_467 = vector.broadcast %custom_jvp_call3A_464 : f32 to vector<128x128xf32>
    %sub3A_468 = arith.subf %add3A_463, %sub3A_467 : vector<128x128xf32>
    %ne3A_469 = arith.cmpf one, %sub3A_468, %sub3A_468 : vector<128x128xf32>
    %add3A_470 = vector.broadcast %custom_jvp_call3A_464 : f32 to vector<128x128xf32>
    %add3A_471 = arith.addf %add3A_463, %add3A_470 : vector<128x128xf32>
    %abs3A_472 = math.absf %sub3A_468 : vector<128x128xf32>
    %neg3A_473 = arith.constant 0.000000e+00 : f32
    %neg3A_474 = vector.broadcast %neg3A_473 : f32 to vector<128x128xf32>
    %neg3A_475 = arith.subf %neg3A_474, %abs3A_472 : vector<128x128xf32>
    %exp3A_476 = math.exp %neg3A_475 : vector<128x128xf32>
    %log1p3A_477 = math.log1p %exp3A_476 : vector<128x128xf32>
    %add3A_478 = arith.addf %max3A_466, %log1p3A_477 : vector<128x128xf32>
    %select_n3A_479 = arith.select %ne3A_469, %add3A_471, %add3A_478 : vector<128x128xi1>, vector<128x128xf32>
    %sub3A_480 = arith.constant 0.693147182 : f32
    %sub3A_481 = vector.broadcast %sub3A_480 : f32 to vector<128x128xf32>
    %sub3A_482 = arith.subf %select_n3A_479, %sub3A_481 : vector<128x128xf32>
    %get3A_483 = arith.constant 0 : index
    %get3A_484 = arith.constant 0 : index
    %get3A_485 = vector.load %arg8[%get3A_483, %get3A_484] : memref<128x128xf32, #tpu.memory_space<vmem>>, vector<128x128xf32>
    %dot_general3A_486 = arith.constant dense<0.000000e+00> : vector<128x128xf32>
    %dot_general3A_487 = tpu.matmul %sub3A_482, %get3A_485, %dot_general3A_486 {dimension_numbers = #tpu.dot_dimension_numbers<[1], [0], [0], [1], [0, 0, 1, 1], [], []>, transpose_lhs_hint = false} : vector<128x128xf32>, vector<128x128xf32>, vector<128x128xf32> -> vector<128x128xf32>
    %get3A_488 = arith.constant 0 : index
    %get3A_489 = arith.constant 0 : index
    %get3A_490 = vector.load %arg9[%get3A_488, %get3A_489] : memref<1x128xf32, #tpu.memory_space<vmem>>, vector<1x128xf32>
    %add3A_491 = vector.broadcast %get3A_490 : vector<1x128xf32> to vector<128x128xf32>
    %add3A_492 = arith.addf %dot_general3A_487, %add3A_491 : vector<128x128xf32>
    %get3A_493 = arith.constant 0 : index
    %get3A_494 = arith.constant 8 : index
    %get3A_495 = arith.constant 0 : index
    %get3A_496 = arith.constant 0 : index
    %get3A_497 = vector.load %arg5[%get3A_493, %get3A_494, %get3A_495, %get3A_496] : memref<1x32x128x128xf32, #tpu.memory_space<vmem>>, vector<1x1x128x128xf32>
    %get3A_498 = vector.shape_cast %get3A_497 : vector<1x1x128x128xf32> to vector<128x128xf32>
    %mul3A_499 = arith.mulf %add3A_492, %get3A_498 : vector<128x128xf32>
    %slice3A_500 = vector.extract_strided_slice %mul3A {offsets = [0, 8], sizes = [128, 1], strides = [1, 1]} : vector<128x32xf32> to vector<128x1xf32>
    %mul3A_501 = vector.broadcast %slice3A_500 : vector<128x1xf32> to vector<128x128xf32>
    %mul3A_502 = arith.mulf %mul3A_499, %mul3A_501 : vector<128x128xf32>
    %add3A_503 = arith.addf %add3A_447, %mul3A_502 : vector<128x128xf32>
    %get3A_504 = arith.constant 0 : index
    %get3A_505 = arith.constant 0 : index
    %get3A_506 = arith.constant 9 : index
    %get3A_507 = arith.constant 0 : index
    %get3A_508 = vector.load %arg2[%get3A_504, %get3A_505, %get3A_506, %get3A_507] : memref<1x25x32x128xf32, #tpu.memory_space<vmem>>, vector<1x25x1x128xf32>
    %get3A_509 = vector.shape_cast %get3A_508 : vector<1x25x1x128xf32> to vector<25x128xf32>
    %get3A_510 = arith.constant 0 : index
    %get3A_511 = arith.constant 0 : index
    %get3A_512 = vector.load %arg6[%get3A_510, %get3A_511] : memref<25x128xf32, #tpu.memory_space<vmem>>, vector<25x128xf32>
    %dot_general3A_513 = arith.constant dense<0.000000e+00> : vector<128x128xf32>
    %dot_general3A_514 = tpu.matmul %get3A_509, %get3A_512, %dot_general3A_513 {dimension_numbers = #tpu.dot_dimension_numbers<[0], [0], [1], [1], [0, 1, 1, 1], [], []>, transpose_lhs_hint = false} : vector<25x128xf32>, vector<25x128xf32>, vector<128x128xf32> -> vector<128x128xf32>
    %get3A_515 = arith.constant 0 : index
    %get3A_516 = arith.constant 0 : index
    %get3A_517 = vector.load %arg7[%get3A_515, %get3A_516] : memref<1x128xf32, #tpu.memory_space<vmem>>, vector<1x128xf32>
    %add3A_518 = vector.broadcast %get3A_517 : vector<1x128xf32> to vector<128x128xf32>
    %add3A_519 = arith.addf %dot_general3A_514, %add3A_518 : vector<128x128xf32>
    %custom_jvp_call3A_520 = arith.constant 0.000000e+00 : f32
    %max3A_521 = vector.broadcast %custom_jvp_call3A_520 : f32 to vector<128x128xf32>
    %max3A_522 = arith.maximumf %add3A_519, %max3A_521 : vector<128x128xf32>
    %sub3A_523 = vector.broadcast %custom_jvp_call3A_520 : f32 to vector<128x128xf32>
    %sub3A_524 = arith.subf %add3A_519, %sub3A_523 : vector<128x128xf32>
    %ne3A_525 = arith.cmpf one, %sub3A_524, %sub3A_524 : vector<128x128xf32>
    %add3A_526 = vector.broadcast %custom_jvp_call3A_520 : f32 to vector<128x128xf32>
    %add3A_527 = arith.addf %add3A_519, %add3A_526 : vector<128x128xf32>
    %abs3A_528 = math.absf %sub3A_524 : vector<128x128xf32>
    %neg3A_529 = arith.constant 0.000000e+00 : f32
    %neg3A_530 = vector.broadcast %neg3A_529 : f32 to vector<128x128xf32>
    %neg3A_531 = arith.subf %neg3A_530, %abs3A_528 : vector<128x128xf32>
    %exp3A_532 = math.exp %neg3A_531 : vector<128x128xf32>
    %log1p3A_533 = math.log1p %exp3A_532 : vector<128x128xf32>
    %add3A_534 = arith.addf %max3A_522, %log1p3A_533 : vector<128x128xf32>
    %select_n3A_535 = arith.select %ne3A_525, %add3A_527, %add3A_534 : vector<128x128xi1>, vector<128x128xf32>
    %sub3A_536 = arith.constant 0.693147182 : f32
    %sub3A_537 = vector.broadcast %sub3A_536 : f32 to vector<128x128xf32>
    %sub3A_538 = arith.subf %select_n3A_535, %sub3A_537 : vector<128x128xf32>
    %get3A_539 = arith.constant 0 : index
    %get3A_540 = arith.constant 0 : index
    %get3A_541 = vector.load %arg8[%get3A_539, %get3A_540] : memref<128x128xf32, #tpu.memory_space<vmem>>, vector<128x128xf32>
    %dot_general3A_542 = arith.constant dense<0.000000e+00> : vector<128x128xf32>
    %dot_general3A_543 = tpu.matmul %sub3A_538, %get3A_541, %dot_general3A_542 {dimension_numbers = #tpu.dot_dimension_numbers<[1], [0], [0], [1], [0, 0, 1, 1], [], []>, transpose_lhs_hint = false} : vector<128x128xf32>, vector<128x128xf32>, vector<128x128xf32> -> vector<128x128xf32>
    %get3A_544 = arith.constant 0 : index
    %get3A_545 = arith.constant 0 : index
    %get3A_546 = vector.load %arg9[%get3A_544, %get3A_545] : memref<1x128xf32, #tpu.memory_space<vmem>>, vector<1x128xf32>
    %add3A_547 = vector.broadcast %get3A_546 : vector<1x128xf32> to vector<128x128xf32>
    %add3A_548 = arith.addf %dot_general3A_543, %add3A_547 : vector<128x128xf32>
    %get3A_549 = arith.constant 0 : index
    %get3A_550 = arith.constant 9 : index
    %get3A_551 = arith.constant 0 : index
    %get3A_552 = arith.constant 0 : index
    %get3A_553 = vector.load %arg5[%get3A_549, %get3A_550, %get3A_551, %get3A_552] : memref<1x32x128x128xf32, #tpu.memory_space<vmem>>, vector<1x1x128x128xf32>
    %get3A_554 = vector.shape_cast %get3A_553 : vector<1x1x128x128xf32> to vector<128x128xf32>
    %mul3A_555 = arith.mulf %add3A_548, %get3A_554 : vector<128x128xf32>
    %slice3A_556 = vector.extract_strided_slice %mul3A {offsets = [0, 9], sizes = [128, 1], strides = [1, 1]} : vector<128x32xf32> to vector<128x1xf32>
    %mul3A_557 = vector.broadcast %slice3A_556 : vector<128x1xf32> to vector<128x128xf32>
    %mul3A_558 = arith.mulf %mul3A_555, %mul3A_557 : vector<128x128xf32>
    %add3A_559 = arith.addf %add3A_503, %mul3A_558 : vector<128x128xf32>
    %get3A_560 = arith.constant 0 : index
    %get3A_561 = arith.constant 0 : index
    %get3A_562 = arith.constant 10 : index
    %get3A_563 = arith.constant 0 : index
    %get3A_564 = vector.load %arg2[%get3A_560, %get3A_561, %get3A_562, %get3A_563] : memref<1x25x32x128xf32, #tpu.memory_space<vmem>>, vector<1x25x1x128xf32>
    %get3A_565 = vector.shape_cast %get3A_564 : vector<1x25x1x128xf32> to vector<25x128xf32>
    %get3A_566 = arith.constant 0 : index
    %get3A_567 = arith.constant 0 : index
    %get3A_568 = vector.load %arg6[%get3A_566, %get3A_567] : memref<25x128xf32, #tpu.memory_space<vmem>>, vector<25x128xf32>
    %dot_general3A_569 = arith.constant dense<0.000000e+00> : vector<128x128xf32>
    %dot_general3A_570 = tpu.matmul %get3A_565, %get3A_568, %dot_general3A_569 {dimension_numbers = #tpu.dot_dimension_numbers<[0], [0], [1], [1], [0, 1, 1, 1], [], []>, transpose_lhs_hint = false} : vector<25x128xf32>, vector<25x128xf32>, vector<128x128xf32> -> vector<128x128xf32>
    %get3A_571 = arith.constant 0 : index
    %get3A_572 = arith.constant 0 : index
    %get3A_573 = vector.load %arg7[%get3A_571, %get3A_572] : memref<1x128xf32, #tpu.memory_space<vmem>>, vector<1x128xf32>
    %add3A_574 = vector.broadcast %get3A_573 : vector<1x128xf32> to vector<128x128xf32>
    %add3A_575 = arith.addf %dot_general3A_570, %add3A_574 : vector<128x128xf32>
    %custom_jvp_call3A_576 = arith.constant 0.000000e+00 : f32
    %max3A_577 = vector.broadcast %custom_jvp_call3A_576 : f32 to vector<128x128xf32>
    %max3A_578 = arith.maximumf %add3A_575, %max3A_577 : vector<128x128xf32>
    %sub3A_579 = vector.broadcast %custom_jvp_call3A_576 : f32 to vector<128x128xf32>
    %sub3A_580 = arith.subf %add3A_575, %sub3A_579 : vector<128x128xf32>
    %ne3A_581 = arith.cmpf one, %sub3A_580, %sub3A_580 : vector<128x128xf32>
    %add3A_582 = vector.broadcast %custom_jvp_call3A_576 : f32 to vector<128x128xf32>
    %add3A_583 = arith.addf %add3A_575, %add3A_582 : vector<128x128xf32>
    %abs3A_584 = math.absf %sub3A_580 : vector<128x128xf32>
    %neg3A_585 = arith.constant 0.000000e+00 : f32
    %neg3A_586 = vector.broadcast %neg3A_585 : f32 to vector<128x128xf32>
    %neg3A_587 = arith.subf %neg3A_586, %abs3A_584 : vector<128x128xf32>
    %exp3A_588 = math.exp %neg3A_587 : vector<128x128xf32>
    %log1p3A_589 = math.log1p %exp3A_588 : vector<128x128xf32>
    %add3A_590 = arith.addf %max3A_578, %log1p3A_589 : vector<128x128xf32>
    %select_n3A_591 = arith.select %ne3A_581, %add3A_583, %add3A_590 : vector<128x128xi1>, vector<128x128xf32>
    %sub3A_592 = arith.constant 0.693147182 : f32
    %sub3A_593 = vector.broadcast %sub3A_592 : f32 to vector<128x128xf32>
    %sub3A_594 = arith.subf %select_n3A_591, %sub3A_593 : vector<128x128xf32>
    %get3A_595 = arith.constant 0 : index
    %get3A_596 = arith.constant 0 : index
    %get3A_597 = vector.load %arg8[%get3A_595, %get3A_596] : memref<128x128xf32, #tpu.memory_space<vmem>>, vector<128x128xf32>
    %dot_general3A_598 = arith.constant dense<0.000000e+00> : vector<128x128xf32>
    %dot_general3A_599 = tpu.matmul %sub3A_594, %get3A_597, %dot_general3A_598 {dimension_numbers = #tpu.dot_dimension_numbers<[1], [0], [0], [1], [0, 0, 1, 1], [], []>, transpose_lhs_hint = false} : vector<128x128xf32>, vector<128x128xf32>, vector<128x128xf32> -> vector<128x128xf32>
    %get3A_600 = arith.constant 0 : index
    %get3A_601 = arith.constant 0 : index
    %get3A_602 = vector.load %arg9[%get3A_600, %get3A_601] : memref<1x128xf32, #tpu.memory_space<vmem>>, vector<1x128xf32>
    %add3A_603 = vector.broadcast %get3A_602 : vector<1x128xf32> to vector<128x128xf32>
    %add3A_604 = arith.addf %dot_general3A_599, %add3A_603 : vector<128x128xf32>
    %get3A_605 = arith.constant 0 : index
    %get3A_606 = arith.constant 10 : index
    %get3A_607 = arith.constant 0 : index
    %get3A_608 = arith.constant 0 : index
    %get3A_609 = vector.load %arg5[%get3A_605, %get3A_606, %get3A_607, %get3A_608] : memref<1x32x128x128xf32, #tpu.memory_space<vmem>>, vector<1x1x128x128xf32>
    %get3A_610 = vector.shape_cast %get3A_609 : vector<1x1x128x128xf32> to vector<128x128xf32>
    %mul3A_611 = arith.mulf %add3A_604, %get3A_610 : vector<128x128xf32>
    %slice3A_612 = vector.extract_strided_slice %mul3A {offsets = [0, 10], sizes = [128, 1], strides = [1, 1]} : vector<128x32xf32> to vector<128x1xf32>
    %mul3A_613 = vector.broadcast %slice3A_612 : vector<128x1xf32> to vector<128x128xf32>
    %mul3A_614 = arith.mulf %mul3A_611, %mul3A_613 : vector<128x128xf32>
    %add3A_615 = arith.addf %add3A_559, %mul3A_614 : vector<128x128xf32>
    %get3A_616 = arith.constant 0 : index
    %get3A_617 = arith.constant 0 : index
    %get3A_618 = arith.constant 11 : index
    %get3A_619 = arith.constant 0 : index
    %get3A_620 = vector.load %arg2[%get3A_616, %get3A_617, %get3A_618, %get3A_619] : memref<1x25x32x128xf32, #tpu.memory_space<vmem>>, vector<1x25x1x128xf32>
    %get3A_621 = vector.shape_cast %get3A_620 : vector<1x25x1x128xf32> to vector<25x128xf32>
    %get3A_622 = arith.constant 0 : index
    %get3A_623 = arith.constant 0 : index
    %get3A_624 = vector.load %arg6[%get3A_622, %get3A_623] : memref<25x128xf32, #tpu.memory_space<vmem>>, vector<25x128xf32>
    %dot_general3A_625 = arith.constant dense<0.000000e+00> : vector<128x128xf32>
    %dot_general3A_626 = tpu.matmul %get3A_621, %get3A_624, %dot_general3A_625 {dimension_numbers = #tpu.dot_dimension_numbers<[0], [0], [1], [1], [0, 1, 1, 1], [], []>, transpose_lhs_hint = false} : vector<25x128xf32>, vector<25x128xf32>, vector<128x128xf32> -> vector<128x128xf32>
    %get3A_627 = arith.constant 0 : index
    %get3A_628 = arith.constant 0 : index
    %get3A_629 = vector.load %arg7[%get3A_627, %get3A_628] : memref<1x128xf32, #tpu.memory_space<vmem>>, vector<1x128xf32>
    %add3A_630 = vector.broadcast %get3A_629 : vector<1x128xf32> to vector<128x128xf32>
    %add3A_631 = arith.addf %dot_general3A_626, %add3A_630 : vector<128x128xf32>
    %custom_jvp_call3A_632 = arith.constant 0.000000e+00 : f32
    %max3A_633 = vector.broadcast %custom_jvp_call3A_632 : f32 to vector<128x128xf32>
    %max3A_634 = arith.maximumf %add3A_631, %max3A_633 : vector<128x128xf32>
    %sub3A_635 = vector.broadcast %custom_jvp_call3A_632 : f32 to vector<128x128xf32>
    %sub3A_636 = arith.subf %add3A_631, %sub3A_635 : vector<128x128xf32>
    %ne3A_637 = arith.cmpf one, %sub3A_636, %sub3A_636 : vector<128x128xf32>
    %add3A_638 = vector.broadcast %custom_jvp_call3A_632 : f32 to vector<128x128xf32>
    %add3A_639 = arith.addf %add3A_631, %add3A_638 : vector<128x128xf32>
    %abs3A_640 = math.absf %sub3A_636 : vector<128x128xf32>
    %neg3A_641 = arith.constant 0.000000e+00 : f32
    %neg3A_642 = vector.broadcast %neg3A_641 : f32 to vector<128x128xf32>
    %neg3A_643 = arith.subf %neg3A_642, %abs3A_640 : vector<128x128xf32>
    %exp3A_644 = math.exp %neg3A_643 : vector<128x128xf32>
    %log1p3A_645 = math.log1p %exp3A_644 : vector<128x128xf32>
    %add3A_646 = arith.addf %max3A_634, %log1p3A_645 : vector<128x128xf32>
    %select_n3A_647 = arith.select %ne3A_637, %add3A_639, %add3A_646 : vector<128x128xi1>, vector<128x128xf32>
    %sub3A_648 = arith.constant 0.693147182 : f32
    %sub3A_649 = vector.broadcast %sub3A_648 : f32 to vector<128x128xf32>
    %sub3A_650 = arith.subf %select_n3A_647, %sub3A_649 : vector<128x128xf32>
    %get3A_651 = arith.constant 0 : index
    %get3A_652 = arith.constant 0 : index
    %get3A_653 = vector.load %arg8[%get3A_651, %get3A_652] : memref<128x128xf32, #tpu.memory_space<vmem>>, vector<128x128xf32>
    %dot_general3A_654 = arith.constant dense<0.000000e+00> : vector<128x128xf32>
    %dot_general3A_655 = tpu.matmul %sub3A_650, %get3A_653, %dot_general3A_654 {dimension_numbers = #tpu.dot_dimension_numbers<[1], [0], [0], [1], [0, 0, 1, 1], [], []>, transpose_lhs_hint = false} : vector<128x128xf32>, vector<128x128xf32>, vector<128x128xf32> -> vector<128x128xf32>
    %get3A_656 = arith.constant 0 : index
    %get3A_657 = arith.constant 0 : index
    %get3A_658 = vector.load %arg9[%get3A_656, %get3A_657] : memref<1x128xf32, #tpu.memory_space<vmem>>, vector<1x128xf32>
    %add3A_659 = vector.broadcast %get3A_658 : vector<1x128xf32> to vector<128x128xf32>
    %add3A_660 = arith.addf %dot_general3A_655, %add3A_659 : vector<128x128xf32>
    %get3A_661 = arith.constant 0 : index
    %get3A_662 = arith.constant 11 : index
    %get3A_663 = arith.constant 0 : index
    %get3A_664 = arith.constant 0 : index
    %get3A_665 = vector.load %arg5[%get3A_661, %get3A_662, %get3A_663, %get3A_664] : memref<1x32x128x128xf32, #tpu.memory_space<vmem>>, vector<1x1x128x128xf32>
    %get3A_666 = vector.shape_cast %get3A_665 : vector<1x1x128x128xf32> to vector<128x128xf32>
    %mul3A_667 = arith.mulf %add3A_660, %get3A_666 : vector<128x128xf32>
    %slice3A_668 = vector.extract_strided_slice %mul3A {offsets = [0, 11], sizes = [128, 1], strides = [1, 1]} : vector<128x32xf32> to vector<128x1xf32>
    %mul3A_669 = vector.broadcast %slice3A_668 : vector<128x1xf32> to vector<128x128xf32>
    %mul3A_670 = arith.mulf %mul3A_667, %mul3A_669 : vector<128x128xf32>
    %add3A_671 = arith.addf %add3A_615, %mul3A_670 : vector<128x128xf32>
    %get3A_672 = arith.constant 0 : index
    %get3A_673 = arith.constant 0 : index
    %get3A_674 = arith.constant 12 : index
    %get3A_675 = arith.constant 0 : index
    %get3A_676 = vector.load %arg2[%get3A_672, %get3A_673, %get3A_674, %get3A_675] : memref<1x25x32x128xf32, #tpu.memory_space<vmem>>, vector<1x25x1x128xf32>
    %get3A_677 = vector.shape_cast %get3A_676 : vector<1x25x1x128xf32> to vector<25x128xf32>
    %get3A_678 = arith.constant 0 : index
    %get3A_679 = arith.constant 0 : index
    %get3A_680 = vector.load %arg6[%get3A_678, %get3A_679] : memref<25x128xf32, #tpu.memory_space<vmem>>, vector<25x128xf32>
    %dot_general3A_681 = arith.constant dense<0.000000e+00> : vector<128x128xf32>
    %dot_general3A_682 = tpu.matmul %get3A_677, %get3A_680, %dot_general3A_681 {dimension_numbers = #tpu.dot_dimension_numbers<[0], [0], [1], [1], [0, 1, 1, 1], [], []>, transpose_lhs_hint = false} : vector<25x128xf32>, vector<25x128xf32>, vector<128x128xf32> -> vector<128x128xf32>
    %get3A_683 = arith.constant 0 : index
    %get3A_684 = arith.constant 0 : index
    %get3A_685 = vector.load %arg7[%get3A_683, %get3A_684] : memref<1x128xf32, #tpu.memory_space<vmem>>, vector<1x128xf32>
    %add3A_686 = vector.broadcast %get3A_685 : vector<1x128xf32> to vector<128x128xf32>
    %add3A_687 = arith.addf %dot_general3A_682, %add3A_686 : vector<128x128xf32>
    %custom_jvp_call3A_688 = arith.constant 0.000000e+00 : f32
    %max3A_689 = vector.broadcast %custom_jvp_call3A_688 : f32 to vector<128x128xf32>
    %max3A_690 = arith.maximumf %add3A_687, %max3A_689 : vector<128x128xf32>
    %sub3A_691 = vector.broadcast %custom_jvp_call3A_688 : f32 to vector<128x128xf32>
    %sub3A_692 = arith.subf %add3A_687, %sub3A_691 : vector<128x128xf32>
    %ne3A_693 = arith.cmpf one, %sub3A_692, %sub3A_692 : vector<128x128xf32>
    %add3A_694 = vector.broadcast %custom_jvp_call3A_688 : f32 to vector<128x128xf32>
    %add3A_695 = arith.addf %add3A_687, %add3A_694 : vector<128x128xf32>
    %abs3A_696 = math.absf %sub3A_692 : vector<128x128xf32>
    %neg3A_697 = arith.constant 0.000000e+00 : f32
    %neg3A_698 = vector.broadcast %neg3A_697 : f32 to vector<128x128xf32>
    %neg3A_699 = arith.subf %neg3A_698, %abs3A_696 : vector<128x128xf32>
    %exp3A_700 = math.exp %neg3A_699 : vector<128x128xf32>
    %log1p3A_701 = math.log1p %exp3A_700 : vector<128x128xf32>
    %add3A_702 = arith.addf %max3A_690, %log1p3A_701 : vector<128x128xf32>
    %select_n3A_703 = arith.select %ne3A_693, %add3A_695, %add3A_702 : vector<128x128xi1>, vector<128x128xf32>
    %sub3A_704 = arith.constant 0.693147182 : f32
    %sub3A_705 = vector.broadcast %sub3A_704 : f32 to vector<128x128xf32>
    %sub3A_706 = arith.subf %select_n3A_703, %sub3A_705 : vector<128x128xf32>
    %get3A_707 = arith.constant 0 : index
    %get3A_708 = arith.constant 0 : index
    %get3A_709 = vector.load %arg8[%get3A_707, %get3A_708] : memref<128x128xf32, #tpu.memory_space<vmem>>, vector<128x128xf32>
    %dot_general3A_710 = arith.constant dense<0.000000e+00> : vector<128x128xf32>
    %dot_general3A_711 = tpu.matmul %sub3A_706, %get3A_709, %dot_general3A_710 {dimension_numbers = #tpu.dot_dimension_numbers<[1], [0], [0], [1], [0, 0, 1, 1], [], []>, transpose_lhs_hint = false} : vector<128x128xf32>, vector<128x128xf32>, vector<128x128xf32> -> vector<128x128xf32>
    %get3A_712 = arith.constant 0 : index
    %get3A_713 = arith.constant 0 : index
    %get3A_714 = vector.load %arg9[%get3A_712, %get3A_713] : memref<1x128xf32, #tpu.memory_space<vmem>>, vector<1x128xf32>
    %add3A_715 = vector.broadcast %get3A_714 : vector<1x128xf32> to vector<128x128xf32>
    %add3A_716 = arith.addf %dot_general3A_711, %add3A_715 : vector<128x128xf32>
    %get3A_717 = arith.constant 0 : index
    %get3A_718 = arith.constant 12 : index
    %get3A_719 = arith.constant 0 : index
    %get3A_720 = arith.constant 0 : index
    %get3A_721 = vector.load %arg5[%get3A_717, %get3A_718, %get3A_719, %get3A_720] : memref<1x32x128x128xf32, #tpu.memory_space<vmem>>, vector<1x1x128x128xf32>
    %get3A_722 = vector.shape_cast %get3A_721 : vector<1x1x128x128xf32> to vector<128x128xf32>
    %mul3A_723 = arith.mulf %add3A_716, %get3A_722 : vector<128x128xf32>
    %slice3A_724 = vector.extract_strided_slice %mul3A {offsets = [0, 12], sizes = [128, 1], strides = [1, 1]} : vector<128x32xf32> to vector<128x1xf32>
    %mul3A_725 = vector.broadcast %slice3A_724 : vector<128x1xf32> to vector<128x128xf32>
    %mul3A_726 = arith.mulf %mul3A_723, %mul3A_725 : vector<128x128xf32>
    %add3A_727 = arith.addf %add3A_671, %mul3A_726 : vector<128x128xf32>
    %get3A_728 = arith.constant 0 : index
    %get3A_729 = arith.constant 0 : index
    %get3A_730 = arith.constant 13 : index
    %get3A_731 = arith.constant 0 : index
    %get3A_732 = vector.load %arg2[%get3A_728, %get3A_729, %get3A_730, %get3A_731] : memref<1x25x32x128xf32, #tpu.memory_space<vmem>>, vector<1x25x1x128xf32>
    %get3A_733 = vector.shape_cast %get3A_732 : vector<1x25x1x128xf32> to vector<25x128xf32>
    %get3A_734 = arith.constant 0 : index
    %get3A_735 = arith.constant 0 : index
    %get3A_736 = vector.load %arg6[%get3A_734, %get3A_735] : memref<25x128xf32, #tpu.memory_space<vmem>>, vector<25x128xf32>
    %dot_general3A_737 = arith.constant dense<0.000000e+00> : vector<128x128xf32>
    %dot_general3A_738 = tpu.matmul %get3A_733, %get3A_736, %dot_general3A_737 {dimension_numbers = #tpu.dot_dimension_numbers<[0], [0], [1], [1], [0, 1, 1, 1], [], []>, transpose_lhs_hint = false} : vector<25x128xf32>, vector<25x128xf32>, vector<128x128xf32> -> vector<128x128xf32>
    %get3A_739 = arith.constant 0 : index
    %get3A_740 = arith.constant 0 : index
    %get3A_741 = vector.load %arg7[%get3A_739, %get3A_740] : memref<1x128xf32, #tpu.memory_space<vmem>>, vector<1x128xf32>
    %add3A_742 = vector.broadcast %get3A_741 : vector<1x128xf32> to vector<128x128xf32>
    %add3A_743 = arith.addf %dot_general3A_738, %add3A_742 : vector<128x128xf32>
    %custom_jvp_call3A_744 = arith.constant 0.000000e+00 : f32
    %max3A_745 = vector.broadcast %custom_jvp_call3A_744 : f32 to vector<128x128xf32>
    %max3A_746 = arith.maximumf %add3A_743, %max3A_745 : vector<128x128xf32>
    %sub3A_747 = vector.broadcast %custom_jvp_call3A_744 : f32 to vector<128x128xf32>
    %sub3A_748 = arith.subf %add3A_743, %sub3A_747 : vector<128x128xf32>
    %ne3A_749 = arith.cmpf one, %sub3A_748, %sub3A_748 : vector<128x128xf32>
    %add3A_750 = vector.broadcast %custom_jvp_call3A_744 : f32 to vector<128x128xf32>
    %add3A_751 = arith.addf %add3A_743, %add3A_750 : vector<128x128xf32>
    %abs3A_752 = math.absf %sub3A_748 : vector<128x128xf32>
    %neg3A_753 = arith.constant 0.000000e+00 : f32
    %neg3A_754 = vector.broadcast %neg3A_753 : f32 to vector<128x128xf32>
    %neg3A_755 = arith.subf %neg3A_754, %abs3A_752 : vector<128x128xf32>
    %exp3A_756 = math.exp %neg3A_755 : vector<128x128xf32>
    %log1p3A_757 = math.log1p %exp3A_756 : vector<128x128xf32>
    %add3A_758 = arith.addf %max3A_746, %log1p3A_757 : vector<128x128xf32>
    %select_n3A_759 = arith.select %ne3A_749, %add3A_751, %add3A_758 : vector<128x128xi1>, vector<128x128xf32>
    %sub3A_760 = arith.constant 0.693147182 : f32
    %sub3A_761 = vector.broadcast %sub3A_760 : f32 to vector<128x128xf32>
    %sub3A_762 = arith.subf %select_n3A_759, %sub3A_761 : vector<128x128xf32>
    %get3A_763 = arith.constant 0 : index
    %get3A_764 = arith.constant 0 : index
    %get3A_765 = vector.load %arg8[%get3A_763, %get3A_764] : memref<128x128xf32, #tpu.memory_space<vmem>>, vector<128x128xf32>
    %dot_general3A_766 = arith.constant dense<0.000000e+00> : vector<128x128xf32>
    %dot_general3A_767 = tpu.matmul %sub3A_762, %get3A_765, %dot_general3A_766 {dimension_numbers = #tpu.dot_dimension_numbers<[1], [0], [0], [1], [0, 0, 1, 1], [], []>, transpose_lhs_hint = false} : vector<128x128xf32>, vector<128x128xf32>, vector<128x128xf32> -> vector<128x128xf32>
    %get3A_768 = arith.constant 0 : index
    %get3A_769 = arith.constant 0 : index
    %get3A_770 = vector.load %arg9[%get3A_768, %get3A_769] : memref<1x128xf32, #tpu.memory_space<vmem>>, vector<1x128xf32>
    %add3A_771 = vector.broadcast %get3A_770 : vector<1x128xf32> to vector<128x128xf32>
    %add3A_772 = arith.addf %dot_general3A_767, %add3A_771 : vector<128x128xf32>
    %get3A_773 = arith.constant 0 : index
    %get3A_774 = arith.constant 13 : index
    %get3A_775 = arith.constant 0 : index
    %get3A_776 = arith.constant 0 : index
    %get3A_777 = vector.load %arg5[%get3A_773, %get3A_774, %get3A_775, %get3A_776] : memref<1x32x128x128xf32, #tpu.memory_space<vmem>>, vector<1x1x128x128xf32>
    %get3A_778 = vector.shape_cast %get3A_777 : vector<1x1x128x128xf32> to vector<128x128xf32>
    %mul3A_779 = arith.mulf %add3A_772, %get3A_778 : vector<128x128xf32>
    %slice3A_780 = vector.extract_strided_slice %mul3A {offsets = [0, 13], sizes = [128, 1], strides = [1, 1]} : vector<128x32xf32> to vector<128x1xf32>
    %mul3A_781 = vector.broadcast %slice3A_780 : vector<128x1xf32> to vector<128x128xf32>
    %mul3A_782 = arith.mulf %mul3A_779, %mul3A_781 : vector<128x128xf32>
    %add3A_783 = arith.addf %add3A_727, %mul3A_782 : vector<128x128xf32>
    %get3A_784 = arith.constant 0 : index
    %get3A_785 = arith.constant 0 : index
    %get3A_786 = arith.constant 14 : index
    %get3A_787 = arith.constant 0 : index
    %get3A_788 = vector.load %arg2[%get3A_784, %get3A_785, %get3A_786, %get3A_787] : memref<1x25x32x128xf32, #tpu.memory_space<vmem>>, vector<1x25x1x128xf32>
    %get3A_789 = vector.shape_cast %get3A_788 : vector<1x25x1x128xf32> to vector<25x128xf32>
    %get3A_790 = arith.constant 0 : index
    %get3A_791 = arith.constant 0 : index
    %get3A_792 = vector.load %arg6[%get3A_790, %get3A_791] : memref<25x128xf32, #tpu.memory_space<vmem>>, vector<25x128xf32>
    %dot_general3A_793 = arith.constant dense<0.000000e+00> : vector<128x128xf32>
    %dot_general3A_794 = tpu.matmul %get3A_789, %get3A_792, %dot_general3A_793 {dimension_numbers = #tpu.dot_dimension_numbers<[0], [0], [1], [1], [0, 1, 1, 1], [], []>, transpose_lhs_hint = false} : vector<25x128xf32>, vector<25x128xf32>, vector<128x128xf32> -> vector<128x128xf32>
    %get3A_795 = arith.constant 0 : index
    %get3A_796 = arith.constant 0 : index
    %get3A_797 = vector.load %arg7[%get3A_795, %get3A_796] : memref<1x128xf32, #tpu.memory_space<vmem>>, vector<1x128xf32>
    %add3A_798 = vector.broadcast %get3A_797 : vector<1x128xf32> to vector<128x128xf32>
    %add3A_799 = arith.addf %dot_general3A_794, %add3A_798 : vector<128x128xf32>
    %custom_jvp_call3A_800 = arith.constant 0.000000e+00 : f32
    %max3A_801 = vector.broadcast %custom_jvp_call3A_800 : f32 to vector<128x128xf32>
    %max3A_802 = arith.maximumf %add3A_799, %max3A_801 : vector<128x128xf32>
    %sub3A_803 = vector.broadcast %custom_jvp_call3A_800 : f32 to vector<128x128xf32>
    %sub3A_804 = arith.subf %add3A_799, %sub3A_803 : vector<128x128xf32>
    %ne3A_805 = arith.cmpf one, %sub3A_804, %sub3A_804 : vector<128x128xf32>
    %add3A_806 = vector.broadcast %custom_jvp_call3A_800 : f32 to vector<128x128xf32>
    %add3A_807 = arith.addf %add3A_799, %add3A_806 : vector<128x128xf32>
    %abs3A_808 = math.absf %sub3A_804 : vector<128x128xf32>
    %neg3A_809 = arith.constant 0.000000e+00 : f32
    %neg3A_810 = vector.broadcast %neg3A_809 : f32 to vector<128x128xf32>
    %neg3A_811 = arith.subf %neg3A_810, %abs3A_808 : vector<128x128xf32>
    %exp3A_812 = math.exp %neg3A_811 : vector<128x128xf32>
    %log1p3A_813 = math.log1p %exp3A_812 : vector<128x128xf32>
    %add3A_814 = arith.addf %max3A_802, %log1p3A_813 : vector<128x128xf32>
    %select_n3A_815 = arith.select %ne3A_805, %add3A_807, %add3A_814 : vector<128x128xi1>, vector<128x128xf32>
    %sub3A_816 = arith.constant 0.693147182 : f32
    %sub3A_817 = vector.broadcast %sub3A_816 : f32 to vector<128x128xf32>
    %sub3A_818 = arith.subf %select_n3A_815, %sub3A_817 : vector<128x128xf32>
    %get3A_819 = arith.constant 0 : index
    %get3A_820 = arith.constant 0 : index
    %get3A_821 = vector.load %arg8[%get3A_819, %get3A_820] : memref<128x128xf32, #tpu.memory_space<vmem>>, vector<128x128xf32>
    %dot_general3A_822 = arith.constant dense<0.000000e+00> : vector<128x128xf32>
    %dot_general3A_823 = tpu.matmul %sub3A_818, %get3A_821, %dot_general3A_822 {dimension_numbers = #tpu.dot_dimension_numbers<[1], [0], [0], [1], [0, 0, 1, 1], [], []>, transpose_lhs_hint = false} : vector<128x128xf32>, vector<128x128xf32>, vector<128x128xf32> -> vector<128x128xf32>
    %get3A_824 = arith.constant 0 : index
    %get3A_825 = arith.constant 0 : index
    %get3A_826 = vector.load %arg9[%get3A_824, %get3A_825] : memref<1x128xf32, #tpu.memory_space<vmem>>, vector<1x128xf32>
    %add3A_827 = vector.broadcast %get3A_826 : vector<1x128xf32> to vector<128x128xf32>
    %add3A_828 = arith.addf %dot_general3A_823, %add3A_827 : vector<128x128xf32>
    %get3A_829 = arith.constant 0 : index
    %get3A_830 = arith.constant 14 : index
    %get3A_831 = arith.constant 0 : index
    %get3A_832 = arith.constant 0 : index
    %get3A_833 = vector.load %arg5[%get3A_829, %get3A_830, %get3A_831, %get3A_832] : memref<1x32x128x128xf32, #tpu.memory_space<vmem>>, vector<1x1x128x128xf32>
    %get3A_834 = vector.shape_cast %get3A_833 : vector<1x1x128x128xf32> to vector<128x128xf32>
    %mul3A_835 = arith.mulf %add3A_828, %get3A_834 : vector<128x128xf32>
    %slice3A_836 = vector.extract_strided_slice %mul3A {offsets = [0, 14], sizes = [128, 1], strides = [1, 1]} : vector<128x32xf32> to vector<128x1xf32>
    %mul3A_837 = vector.broadcast %slice3A_836 : vector<128x1xf32> to vector<128x128xf32>
    %mul3A_838 = arith.mulf %mul3A_835, %mul3A_837 : vector<128x128xf32>
    %add3A_839 = arith.addf %add3A_783, %mul3A_838 : vector<128x128xf32>
    %get3A_840 = arith.constant 0 : index
    %get3A_841 = arith.constant 0 : index
    %get3A_842 = arith.constant 15 : index
    %get3A_843 = arith.constant 0 : index
    %get3A_844 = vector.load %arg2[%get3A_840, %get3A_841, %get3A_842, %get3A_843] : memref<1x25x32x128xf32, #tpu.memory_space<vmem>>, vector<1x25x1x128xf32>
    %get3A_845 = vector.shape_cast %get3A_844 : vector<1x25x1x128xf32> to vector<25x128xf32>
    %get3A_846 = arith.constant 0 : index
    %get3A_847 = arith.constant 0 : index
    %get3A_848 = vector.load %arg6[%get3A_846, %get3A_847] : memref<25x128xf32, #tpu.memory_space<vmem>>, vector<25x128xf32>
    %dot_general3A_849 = arith.constant dense<0.000000e+00> : vector<128x128xf32>
    %dot_general3A_850 = tpu.matmul %get3A_845, %get3A_848, %dot_general3A_849 {dimension_numbers = #tpu.dot_dimension_numbers<[0], [0], [1], [1], [0, 1, 1, 1], [], []>, transpose_lhs_hint = false} : vector<25x128xf32>, vector<25x128xf32>, vector<128x128xf32> -> vector<128x128xf32>
    %get3A_851 = arith.constant 0 : index
    %get3A_852 = arith.constant 0 : index
    %get3A_853 = vector.load %arg7[%get3A_851, %get3A_852] : memref<1x128xf32, #tpu.memory_space<vmem>>, vector<1x128xf32>
    %add3A_854 = vector.broadcast %get3A_853 : vector<1x128xf32> to vector<128x128xf32>
    %add3A_855 = arith.addf %dot_general3A_850, %add3A_854 : vector<128x128xf32>
    %custom_jvp_call3A_856 = arith.constant 0.000000e+00 : f32
    %max3A_857 = vector.broadcast %custom_jvp_call3A_856 : f32 to vector<128x128xf32>
    %max3A_858 = arith.maximumf %add3A_855, %max3A_857 : vector<128x128xf32>
    %sub3A_859 = vector.broadcast %custom_jvp_call3A_856 : f32 to vector<128x128xf32>
    %sub3A_860 = arith.subf %add3A_855, %sub3A_859 : vector<128x128xf32>
    %ne3A_861 = arith.cmpf one, %sub3A_860, %sub3A_860 : vector<128x128xf32>
    %add3A_862 = vector.broadcast %custom_jvp_call3A_856 : f32 to vector<128x128xf32>
    %add3A_863 = arith.addf %add3A_855, %add3A_862 : vector<128x128xf32>
    %abs3A_864 = math.absf %sub3A_860 : vector<128x128xf32>
    %neg3A_865 = arith.constant 0.000000e+00 : f32
    %neg3A_866 = vector.broadcast %neg3A_865 : f32 to vector<128x128xf32>
    %neg3A_867 = arith.subf %neg3A_866, %abs3A_864 : vector<128x128xf32>
    %exp3A_868 = math.exp %neg3A_867 : vector<128x128xf32>
    %log1p3A_869 = math.log1p %exp3A_868 : vector<128x128xf32>
    %add3A_870 = arith.addf %max3A_858, %log1p3A_869 : vector<128x128xf32>
    %select_n3A_871 = arith.select %ne3A_861, %add3A_863, %add3A_870 : vector<128x128xi1>, vector<128x128xf32>
    %sub3A_872 = arith.constant 0.693147182 : f32
    %sub3A_873 = vector.broadcast %sub3A_872 : f32 to vector<128x128xf32>
    %sub3A_874 = arith.subf %select_n3A_871, %sub3A_873 : vector<128x128xf32>
    %get3A_875 = arith.constant 0 : index
    %get3A_876 = arith.constant 0 : index
    %get3A_877 = vector.load %arg8[%get3A_875, %get3A_876] : memref<128x128xf32, #tpu.memory_space<vmem>>, vector<128x128xf32>
    %dot_general3A_878 = arith.constant dense<0.000000e+00> : vector<128x128xf32>
    %dot_general3A_879 = tpu.matmul %sub3A_874, %get3A_877, %dot_general3A_878 {dimension_numbers = #tpu.dot_dimension_numbers<[1], [0], [0], [1], [0, 0, 1, 1], [], []>, transpose_lhs_hint = false} : vector<128x128xf32>, vector<128x128xf32>, vector<128x128xf32> -> vector<128x128xf32>
    %get3A_880 = arith.constant 0 : index
    %get3A_881 = arith.constant 0 : index
    %get3A_882 = vector.load %arg9[%get3A_880, %get3A_881] : memref<1x128xf32, #tpu.memory_space<vmem>>, vector<1x128xf32>
    %add3A_883 = vector.broadcast %get3A_882 : vector<1x128xf32> to vector<128x128xf32>
    %add3A_884 = arith.addf %dot_general3A_879, %add3A_883 : vector<128x128xf32>
    %get3A_885 = arith.constant 0 : index
    %get3A_886 = arith.constant 15 : index
    %get3A_887 = arith.constant 0 : index
    %get3A_888 = arith.constant 0 : index
    %get3A_889 = vector.load %arg5[%get3A_885, %get3A_886, %get3A_887, %get3A_888] : memref<1x32x128x128xf32, #tpu.memory_space<vmem>>, vector<1x1x128x128xf32>
    %get3A_890 = vector.shape_cast %get3A_889 : vector<1x1x128x128xf32> to vector<128x128xf32>
    %mul3A_891 = arith.mulf %add3A_884, %get3A_890 : vector<128x128xf32>
    %slice3A_892 = vector.extract_strided_slice %mul3A {offsets = [0, 15], sizes = [128, 1], strides = [1, 1]} : vector<128x32xf32> to vector<128x1xf32>
    %mul3A_893 = vector.broadcast %slice3A_892 : vector<128x1xf32> to vector<128x128xf32>
    %mul3A_894 = arith.mulf %mul3A_891, %mul3A_893 : vector<128x128xf32>
    %add3A_895 = arith.addf %add3A_839, %mul3A_894 : vector<128x128xf32>
    %get3A_896 = arith.constant 0 : index
    %get3A_897 = arith.constant 0 : index
    %get3A_898 = arith.constant 16 : index
    %get3A_899 = arith.constant 0 : index
    %get3A_900 = vector.load %arg2[%get3A_896, %get3A_897, %get3A_898, %get3A_899] : memref<1x25x32x128xf32, #tpu.memory_space<vmem>>, vector<1x25x1x128xf32>
    %get3A_901 = vector.shape_cast %get3A_900 : vector<1x25x1x128xf32> to vector<25x128xf32>
    %get3A_902 = arith.constant 0 : index
    %get3A_903 = arith.constant 0 : index
    %get3A_904 = vector.load %arg6[%get3A_902, %get3A_903] : memref<25x128xf32, #tpu.memory_space<vmem>>, vector<25x128xf32>
    %dot_general3A_905 = arith.constant dense<0.000000e+00> : vector<128x128xf32>
    %dot_general3A_906 = tpu.matmul %get3A_901, %get3A_904, %dot_general3A_905 {dimension_numbers = #tpu.dot_dimension_numbers<[0], [0], [1], [1], [0, 1, 1, 1], [], []>, transpose_lhs_hint = false} : vector<25x128xf32>, vector<25x128xf32>, vector<128x128xf32> -> vector<128x128xf32>
    %get3A_907 = arith.constant 0 : index
    %get3A_908 = arith.constant 0 : index
    %get3A_909 = vector.load %arg7[%get3A_907, %get3A_908] : memref<1x128xf32, #tpu.memory_space<vmem>>, vector<1x128xf32>
    %add3A_910 = vector.broadcast %get3A_909 : vector<1x128xf32> to vector<128x128xf32>
    %add3A_911 = arith.addf %dot_general3A_906, %add3A_910 : vector<128x128xf32>
    %custom_jvp_call3A_912 = arith.constant 0.000000e+00 : f32
    %max3A_913 = vector.broadcast %custom_jvp_call3A_912 : f32 to vector<128x128xf32>
    %max3A_914 = arith.maximumf %add3A_911, %max3A_913 : vector<128x128xf32>
    %sub3A_915 = vector.broadcast %custom_jvp_call3A_912 : f32 to vector<128x128xf32>
    %sub3A_916 = arith.subf %add3A_911, %sub3A_915 : vector<128x128xf32>
    %ne3A_917 = arith.cmpf one, %sub3A_916, %sub3A_916 : vector<128x128xf32>
    %add3A_918 = vector.broadcast %custom_jvp_call3A_912 : f32 to vector<128x128xf32>
    %add3A_919 = arith.addf %add3A_911, %add3A_918 : vector<128x128xf32>
    %abs3A_920 = math.absf %sub3A_916 : vector<128x128xf32>
    %neg3A_921 = arith.constant 0.000000e+00 : f32
    %neg3A_922 = vector.broadcast %neg3A_921 : f32 to vector<128x128xf32>
    %neg3A_923 = arith.subf %neg3A_922, %abs3A_920 : vector<128x128xf32>
    %exp3A_924 = math.exp %neg3A_923 : vector<128x128xf32>
    %log1p3A_925 = math.log1p %exp3A_924 : vector<128x128xf32>
    %add3A_926 = arith.addf %max3A_914, %log1p3A_925 : vector<128x128xf32>
    %select_n3A_927 = arith.select %ne3A_917, %add3A_919, %add3A_926 : vector<128x128xi1>, vector<128x128xf32>
    %sub3A_928 = arith.constant 0.693147182 : f32
    %sub3A_929 = vector.broadcast %sub3A_928 : f32 to vector<128x128xf32>
    %sub3A_930 = arith.subf %select_n3A_927, %sub3A_929 : vector<128x128xf32>
    %get3A_931 = arith.constant 0 : index
    %get3A_932 = arith.constant 0 : index
    %get3A_933 = vector.load %arg8[%get3A_931, %get3A_932] : memref<128x128xf32, #tpu.memory_space<vmem>>, vector<128x128xf32>
    %dot_general3A_934 = arith.constant dense<0.000000e+00> : vector<128x128xf32>
    %dot_general3A_935 = tpu.matmul %sub3A_930, %get3A_933, %dot_general3A_934 {dimension_numbers = #tpu.dot_dimension_numbers<[1], [0], [0], [1], [0, 0, 1, 1], [], []>, transpose_lhs_hint = false} : vector<128x128xf32>, vector<128x128xf32>, vector<128x128xf32> -> vector<128x128xf32>
    %get3A_936 = arith.constant 0 : index
    %get3A_937 = arith.constant 0 : index
    %get3A_938 = vector.load %arg9[%get3A_936, %get3A_937] : memref<1x128xf32, #tpu.memory_space<vmem>>, vector<1x128xf32>
    %add3A_939 = vector.broadcast %get3A_938 : vector<1x128xf32> to vector<128x128xf32>
    %add3A_940 = arith.addf %dot_general3A_935, %add3A_939 : vector<128x128xf32>
    %get3A_941 = arith.constant 0 : index
    %get3A_942 = arith.constant 16 : index
    %get3A_943 = arith.constant 0 : index
    %get3A_944 = arith.constant 0 : index
    %get3A_945 = vector.load %arg5[%get3A_941, %get3A_942, %get3A_943, %get3A_944] : memref<1x32x128x128xf32, #tpu.memory_space<vmem>>, vector<1x1x128x128xf32>
    %get3A_946 = vector.shape_cast %get3A_945 : vector<1x1x128x128xf32> to vector<128x128xf32>
    %mul3A_947 = arith.mulf %add3A_940, %get3A_946 : vector<128x128xf32>
    %slice3A_948 = vector.extract_strided_slice %mul3A {offsets = [0, 16], sizes = [128, 1], strides = [1, 1]} : vector<128x32xf32> to vector<128x1xf32>
    %mul3A_949 = vector.broadcast %slice3A_948 : vector<128x1xf32> to vector<128x128xf32>
    %mul3A_950 = arith.mulf %mul3A_947, %mul3A_949 : vector<128x128xf32>
    %add3A_951 = arith.addf %add3A_895, %mul3A_950 : vector<128x128xf32>
    %get3A_952 = arith.constant 0 : index
    %get3A_953 = arith.constant 0 : index
    %get3A_954 = arith.constant 17 : index
    %get3A_955 = arith.constant 0 : index
    %get3A_956 = vector.load %arg2[%get3A_952, %get3A_953, %get3A_954, %get3A_955] : memref<1x25x32x128xf32, #tpu.memory_space<vmem>>, vector<1x25x1x128xf32>
    %get3A_957 = vector.shape_cast %get3A_956 : vector<1x25x1x128xf32> to vector<25x128xf32>
    %get3A_958 = arith.constant 0 : index
    %get3A_959 = arith.constant 0 : index
    %get3A_960 = vector.load %arg6[%get3A_958, %get3A_959] : memref<25x128xf32, #tpu.memory_space<vmem>>, vector<25x128xf32>
    %dot_general3A_961 = arith.constant dense<0.000000e+00> : vector<128x128xf32>
    %dot_general3A_962 = tpu.matmul %get3A_957, %get3A_960, %dot_general3A_961 {dimension_numbers = #tpu.dot_dimension_numbers<[0], [0], [1], [1], [0, 1, 1, 1], [], []>, transpose_lhs_hint = false} : vector<25x128xf32>, vector<25x128xf32>, vector<128x128xf32> -> vector<128x128xf32>
    %get3A_963 = arith.constant 0 : index
    %get3A_964 = arith.constant 0 : index
    %get3A_965 = vector.load %arg7[%get3A_963, %get3A_964] : memref<1x128xf32, #tpu.memory_space<vmem>>, vector<1x128xf32>
    %add3A_966 = vector.broadcast %get3A_965 : vector<1x128xf32> to vector<128x128xf32>
    %add3A_967 = arith.addf %dot_general3A_962, %add3A_966 : vector<128x128xf32>
    %custom_jvp_call3A_968 = arith.constant 0.000000e+00 : f32
    %max3A_969 = vector.broadcast %custom_jvp_call3A_968 : f32 to vector<128x128xf32>
    %max3A_970 = arith.maximumf %add3A_967, %max3A_969 : vector<128x128xf32>
    %sub3A_971 = vector.broadcast %custom_jvp_call3A_968 : f32 to vector<128x128xf32>
    %sub3A_972 = arith.subf %add3A_967, %sub3A_971 : vector<128x128xf32>
    %ne3A_973 = arith.cmpf one, %sub3A_972, %sub3A_972 : vector<128x128xf32>
    %add3A_974 = vector.broadcast %custom_jvp_call3A_968 : f32 to vector<128x128xf32>
    %add3A_975 = arith.addf %add3A_967, %add3A_974 : vector<128x128xf32>
    %abs3A_976 = math.absf %sub3A_972 : vector<128x128xf32>
    %neg3A_977 = arith.constant 0.000000e+00 : f32
    %neg3A_978 = vector.broadcast %neg3A_977 : f32 to vector<128x128xf32>
    %neg3A_979 = arith.subf %neg3A_978, %abs3A_976 : vector<128x128xf32>
    %exp3A_980 = math.exp %neg3A_979 : vector<128x128xf32>
    %log1p3A_981 = math.log1p %exp3A_980 : vector<128x128xf32>
    %add3A_982 = arith.addf %max3A_970, %log1p3A_981 : vector<128x128xf32>
    %select_n3A_983 = arith.select %ne3A_973, %add3A_975, %add3A_982 : vector<128x128xi1>, vector<128x128xf32>
    %sub3A_984 = arith.constant 0.693147182 : f32
    %sub3A_985 = vector.broadcast %sub3A_984 : f32 to vector<128x128xf32>
    %sub3A_986 = arith.subf %select_n3A_983, %sub3A_985 : vector<128x128xf32>
    %get3A_987 = arith.constant 0 : index
    %get3A_988 = arith.constant 0 : index
    %get3A_989 = vector.load %arg8[%get3A_987, %get3A_988] : memref<128x128xf32, #tpu.memory_space<vmem>>, vector<128x128xf32>
    %dot_general3A_990 = arith.constant dense<0.000000e+00> : vector<128x128xf32>
    %dot_general3A_991 = tpu.matmul %sub3A_986, %get3A_989, %dot_general3A_990 {dimension_numbers = #tpu.dot_dimension_numbers<[1], [0], [0], [1], [0, 0, 1, 1], [], []>, transpose_lhs_hint = false} : vector<128x128xf32>, vector<128x128xf32>, vector<128x128xf32> -> vector<128x128xf32>
    %get3A_992 = arith.constant 0 : index
    %get3A_993 = arith.constant 0 : index
    %get3A_994 = vector.load %arg9[%get3A_992, %get3A_993] : memref<1x128xf32, #tpu.memory_space<vmem>>, vector<1x128xf32>
    %add3A_995 = vector.broadcast %get3A_994 : vector<1x128xf32> to vector<128x128xf32>
    %add3A_996 = arith.addf %dot_general3A_991, %add3A_995 : vector<128x128xf32>
    %get3A_997 = arith.constant 0 : index
    %get3A_998 = arith.constant 17 : index
    %get3A_999 = arith.constant 0 : index
    %get3A_1000 = arith.constant 0 : index
    %get3A_1001 = vector.load %arg5[%get3A_997, %get3A_998, %get3A_999, %get3A_1000] : memref<1x32x128x128xf32, #tpu.memory_space<vmem>>, vector<1x1x128x128xf32>
    %get3A_1002 = vector.shape_cast %get3A_1001 : vector<1x1x128x128xf32> to vector<128x128xf32>
    %mul3A_1003 = arith.mulf %add3A_996, %get3A_1002 : vector<128x128xf32>
    %slice3A_1004 = vector.extract_strided_slice %mul3A {offsets = [0, 17], sizes = [128, 1], strides = [1, 1]} : vector<128x32xf32> to vector<128x1xf32>
    %mul3A_1005 = vector.broadcast %slice3A_1004 : vector<128x1xf32> to vector<128x128xf32>
    %mul3A_1006 = arith.mulf %mul3A_1003, %mul3A_1005 : vector<128x128xf32>
    %add3A_1007 = arith.addf %add3A_951, %mul3A_1006 : vector<128x128xf32>
    %get3A_1008 = arith.constant 0 : index
    %get3A_1009 = arith.constant 0 : index
    %get3A_1010 = arith.constant 18 : index
    %get3A_1011 = arith.constant 0 : index
    %get3A_1012 = vector.load %arg2[%get3A_1008, %get3A_1009, %get3A_1010, %get3A_1011] : memref<1x25x32x128xf32, #tpu.memory_space<vmem>>, vector<1x25x1x128xf32>
    %get3A_1013 = vector.shape_cast %get3A_1012 : vector<1x25x1x128xf32> to vector<25x128xf32>
    %get3A_1014 = arith.constant 0 : index
    %get3A_1015 = arith.constant 0 : index
    %get3A_1016 = vector.load %arg6[%get3A_1014, %get3A_1015] : memref<25x128xf32, #tpu.memory_space<vmem>>, vector<25x128xf32>
    %dot_general3A_1017 = arith.constant dense<0.000000e+00> : vector<128x128xf32>
    %dot_general3A_1018 = tpu.matmul %get3A_1013, %get3A_1016, %dot_general3A_1017 {dimension_numbers = #tpu.dot_dimension_numbers<[0], [0], [1], [1], [0, 1, 1, 1], [], []>, transpose_lhs_hint = false} : vector<25x128xf32>, vector<25x128xf32>, vector<128x128xf32> -> vector<128x128xf32>
    %get3A_1019 = arith.constant 0 : index
    %get3A_1020 = arith.constant 0 : index
    %get3A_1021 = vector.load %arg7[%get3A_1019, %get3A_1020] : memref<1x128xf32, #tpu.memory_space<vmem>>, vector<1x128xf32>
    %add3A_1022 = vector.broadcast %get3A_1021 : vector<1x128xf32> to vector<128x128xf32>
    %add3A_1023 = arith.addf %dot_general3A_1018, %add3A_1022 : vector<128x128xf32>
    %custom_jvp_call3A_1024 = arith.constant 0.000000e+00 : f32
    %max3A_1025 = vector.broadcast %custom_jvp_call3A_1024 : f32 to vector<128x128xf32>
    %max3A_1026 = arith.maximumf %add3A_1023, %max3A_1025 : vector<128x128xf32>
    %sub3A_1027 = vector.broadcast %custom_jvp_call3A_1024 : f32 to vector<128x128xf32>
    %sub3A_1028 = arith.subf %add3A_1023, %sub3A_1027 : vector<128x128xf32>
    %ne3A_1029 = arith.cmpf one, %sub3A_1028, %sub3A_1028 : vector<128x128xf32>
    %add3A_1030 = vector.broadcast %custom_jvp_call3A_1024 : f32 to vector<128x128xf32>
    %add3A_1031 = arith.addf %add3A_1023, %add3A_1030 : vector<128x128xf32>
    %abs3A_1032 = math.absf %sub3A_1028 : vector<128x128xf32>
    %neg3A_1033 = arith.constant 0.000000e+00 : f32
    %neg3A_1034 = vector.broadcast %neg3A_1033 : f32 to vector<128x128xf32>
    %neg3A_1035 = arith.subf %neg3A_1034, %abs3A_1032 : vector<128x128xf32>
    %exp3A_1036 = math.exp %neg3A_1035 : vector<128x128xf32>
    %log1p3A_1037 = math.log1p %exp3A_1036 : vector<128x128xf32>
    %add3A_1038 = arith.addf %max3A_1026, %log1p3A_1037 : vector<128x128xf32>
    %select_n3A_1039 = arith.select %ne3A_1029, %add3A_1031, %add3A_1038 : vector<128x128xi1>, vector<128x128xf32>
    %sub3A_1040 = arith.constant 0.693147182 : f32
    %sub3A_1041 = vector.broadcast %sub3A_1040 : f32 to vector<128x128xf32>
    %sub3A_1042 = arith.subf %select_n3A_1039, %sub3A_1041 : vector<128x128xf32>
    %get3A_1043 = arith.constant 0 : index
    %get3A_1044 = arith.constant 0 : index
    %get3A_1045 = vector.load %arg8[%get3A_1043, %get3A_1044] : memref<128x128xf32, #tpu.memory_space<vmem>>, vector<128x128xf32>
    %dot_general3A_1046 = arith.constant dense<0.000000e+00> : vector<128x128xf32>
    %dot_general3A_1047 = tpu.matmul %sub3A_1042, %get3A_1045, %dot_general3A_1046 {dimension_numbers = #tpu.dot_dimension_numbers<[1], [0], [0], [1], [0, 0, 1, 1], [], []>, transpose_lhs_hint = false} : vector<128x128xf32>, vector<128x128xf32>, vector<128x128xf32> -> vector<128x128xf32>
    %get3A_1048 = arith.constant 0 : index
    %get3A_1049 = arith.constant 0 : index
    %get3A_1050 = vector.load %arg9[%get3A_1048, %get3A_1049] : memref<1x128xf32, #tpu.memory_space<vmem>>, vector<1x128xf32>
    %add3A_1051 = vector.broadcast %get3A_1050 : vector<1x128xf32> to vector<128x128xf32>
    %add3A_1052 = arith.addf %dot_general3A_1047, %add3A_1051 : vector<128x128xf32>
    %get3A_1053 = arith.constant 0 : index
    %get3A_1054 = arith.constant 18 : index
    %get3A_1055 = arith.constant 0 : index
    %get3A_1056 = arith.constant 0 : index
    %get3A_1057 = vector.load %arg5[%get3A_1053, %get3A_1054, %get3A_1055, %get3A_1056] : memref<1x32x128x128xf32, #tpu.memory_space<vmem>>, vector<1x1x128x128xf32>
    %get3A_1058 = vector.shape_cast %get3A_1057 : vector<1x1x128x128xf32> to vector<128x128xf32>
    %mul3A_1059 = arith.mulf %add3A_1052, %get3A_1058 : vector<128x128xf32>
    %slice3A_1060 = vector.extract_strided_slice %mul3A {offsets = [0, 18], sizes = [128, 1], strides = [1, 1]} : vector<128x32xf32> to vector<128x1xf32>
    %mul3A_1061 = vector.broadcast %slice3A_1060 : vector<128x1xf32> to vector<128x128xf32>
    %mul3A_1062 = arith.mulf %mul3A_1059, %mul3A_1061 : vector<128x128xf32>
    %add3A_1063 = arith.addf %add3A_1007, %mul3A_1062 : vector<128x128xf32>
    %get3A_1064 = arith.constant 0 : index
    %get3A_1065 = arith.constant 0 : index
    %get3A_1066 = arith.constant 19 : index
    %get3A_1067 = arith.constant 0 : index
    %get3A_1068 = vector.load %arg2[%get3A_1064, %get3A_1065, %get3A_1066, %get3A_1067] : memref<1x25x32x128xf32, #tpu.memory_space<vmem>>, vector<1x25x1x128xf32>
    %get3A_1069 = vector.shape_cast %get3A_1068 : vector<1x25x1x128xf32> to vector<25x128xf32>
    %get3A_1070 = arith.constant 0 : index
    %get3A_1071 = arith.constant 0 : index
    %get3A_1072 = vector.load %arg6[%get3A_1070, %get3A_1071] : memref<25x128xf32, #tpu.memory_space<vmem>>, vector<25x128xf32>
    %dot_general3A_1073 = arith.constant dense<0.000000e+00> : vector<128x128xf32>
    %dot_general3A_1074 = tpu.matmul %get3A_1069, %get3A_1072, %dot_general3A_1073 {dimension_numbers = #tpu.dot_dimension_numbers<[0], [0], [1], [1], [0, 1, 1, 1], [], []>, transpose_lhs_hint = false} : vector<25x128xf32>, vector<25x128xf32>, vector<128x128xf32> -> vector<128x128xf32>
    %get3A_1075 = arith.constant 0 : index
    %get3A_1076 = arith.constant 0 : index
    %get3A_1077 = vector.load %arg7[%get3A_1075, %get3A_1076] : memref<1x128xf32, #tpu.memory_space<vmem>>, vector<1x128xf32>
    %add3A_1078 = vector.broadcast %get3A_1077 : vector<1x128xf32> to vector<128x128xf32>
    %add3A_1079 = arith.addf %dot_general3A_1074, %add3A_1078 : vector<128x128xf32>
    %custom_jvp_call3A_1080 = arith.constant 0.000000e+00 : f32
    %max3A_1081 = vector.broadcast %custom_jvp_call3A_1080 : f32 to vector<128x128xf32>
    %max3A_1082 = arith.maximumf %add3A_1079, %max3A_1081 : vector<128x128xf32>
    %sub3A_1083 = vector.broadcast %custom_jvp_call3A_1080 : f32 to vector<128x128xf32>
    %sub3A_1084 = arith.subf %add3A_1079, %sub3A_1083 : vector<128x128xf32>
    %ne3A_1085 = arith.cmpf one, %sub3A_1084, %sub3A_1084 : vector<128x128xf32>
    %add3A_1086 = vector.broadcast %custom_jvp_call3A_1080 : f32 to vector<128x128xf32>
    %add3A_1087 = arith.addf %add3A_1079, %add3A_1086 : vector<128x128xf32>
    %abs3A_1088 = math.absf %sub3A_1084 : vector<128x128xf32>
    %neg3A_1089 = arith.constant 0.000000e+00 : f32
    %neg3A_1090 = vector.broadcast %neg3A_1089 : f32 to vector<128x128xf32>
    %neg3A_1091 = arith.subf %neg3A_1090, %abs3A_1088 : vector<128x128xf32>
    %exp3A_1092 = math.exp %neg3A_1091 : vector<128x128xf32>
    %log1p3A_1093 = math.log1p %exp3A_1092 : vector<128x128xf32>
    %add3A_1094 = arith.addf %max3A_1082, %log1p3A_1093 : vector<128x128xf32>
    %select_n3A_1095 = arith.select %ne3A_1085, %add3A_1087, %add3A_1094 : vector<128x128xi1>, vector<128x128xf32>
    %sub3A_1096 = arith.constant 0.693147182 : f32
    %sub3A_1097 = vector.broadcast %sub3A_1096 : f32 to vector<128x128xf32>
    %sub3A_1098 = arith.subf %select_n3A_1095, %sub3A_1097 : vector<128x128xf32>
    %get3A_1099 = arith.constant 0 : index
    %get3A_1100 = arith.constant 0 : index
    %get3A_1101 = vector.load %arg8[%get3A_1099, %get3A_1100] : memref<128x128xf32, #tpu.memory_space<vmem>>, vector<128x128xf32>
    %dot_general3A_1102 = arith.constant dense<0.000000e+00> : vector<128x128xf32>
    %dot_general3A_1103 = tpu.matmul %sub3A_1098, %get3A_1101, %dot_general3A_1102 {dimension_numbers = #tpu.dot_dimension_numbers<[1], [0], [0], [1], [0, 0, 1, 1], [], []>, transpose_lhs_hint = false} : vector<128x128xf32>, vector<128x128xf32>, vector<128x128xf32> -> vector<128x128xf32>
    %get3A_1104 = arith.constant 0 : index
    %get3A_1105 = arith.constant 0 : index
    %get3A_1106 = vector.load %arg9[%get3A_1104, %get3A_1105] : memref<1x128xf32, #tpu.memory_space<vmem>>, vector<1x128xf32>
    %add3A_1107 = vector.broadcast %get3A_1106 : vector<1x128xf32> to vector<128x128xf32>
    %add3A_1108 = arith.addf %dot_general3A_1103, %add3A_1107 : vector<128x128xf32>
    %get3A_1109 = arith.constant 0 : index
    %get3A_1110 = arith.constant 19 : index
    %get3A_1111 = arith.constant 0 : index
    %get3A_1112 = arith.constant 0 : index
    %get3A_1113 = vector.load %arg5[%get3A_1109, %get3A_1110, %get3A_1111, %get3A_1112] : memref<1x32x128x128xf32, #tpu.memory_space<vmem>>, vector<1x1x128x128xf32>
    %get3A_1114 = vector.shape_cast %get3A_1113 : vector<1x1x128x128xf32> to vector<128x128xf32>
    %mul3A_1115 = arith.mulf %add3A_1108, %get3A_1114 : vector<128x128xf32>
    %slice3A_1116 = vector.extract_strided_slice %mul3A {offsets = [0, 19], sizes = [128, 1], strides = [1, 1]} : vector<128x32xf32> to vector<128x1xf32>
    %mul3A_1117 = vector.broadcast %slice3A_1116 : vector<128x1xf32> to vector<128x128xf32>
    %mul3A_1118 = arith.mulf %mul3A_1115, %mul3A_1117 : vector<128x128xf32>
    %add3A_1119 = arith.addf %add3A_1063, %mul3A_1118 : vector<128x128xf32>
    %get3A_1120 = arith.constant 0 : index
    %get3A_1121 = arith.constant 0 : index
    %get3A_1122 = arith.constant 20 : index
    %get3A_1123 = arith.constant 0 : index
    %get3A_1124 = vector.load %arg2[%get3A_1120, %get3A_1121, %get3A_1122, %get3A_1123] : memref<1x25x32x128xf32, #tpu.memory_space<vmem>>, vector<1x25x1x128xf32>
    %get3A_1125 = vector.shape_cast %get3A_1124 : vector<1x25x1x128xf32> to vector<25x128xf32>
    %get3A_1126 = arith.constant 0 : index
    %get3A_1127 = arith.constant 0 : index
    %get3A_1128 = vector.load %arg6[%get3A_1126, %get3A_1127] : memref<25x128xf32, #tpu.memory_space<vmem>>, vector<25x128xf32>
    %dot_general3A_1129 = arith.constant dense<0.000000e+00> : vector<128x128xf32>
    %dot_general3A_1130 = tpu.matmul %get3A_1125, %get3A_1128, %dot_general3A_1129 {dimension_numbers = #tpu.dot_dimension_numbers<[0], [0], [1], [1], [0, 1, 1, 1], [], []>, transpose_lhs_hint = false} : vector<25x128xf32>, vector<25x128xf32>, vector<128x128xf32> -> vector<128x128xf32>
    %get3A_1131 = arith.constant 0 : index
    %get3A_1132 = arith.constant 0 : index
    %get3A_1133 = vector.load %arg7[%get3A_1131, %get3A_1132] : memref<1x128xf32, #tpu.memory_space<vmem>>, vector<1x128xf32>
    %add3A_1134 = vector.broadcast %get3A_1133 : vector<1x128xf32> to vector<128x128xf32>
    %add3A_1135 = arith.addf %dot_general3A_1130, %add3A_1134 : vector<128x128xf32>
    %custom_jvp_call3A_1136 = arith.constant 0.000000e+00 : f32
    %max3A_1137 = vector.broadcast %custom_jvp_call3A_1136 : f32 to vector<128x128xf32>
    %max3A_1138 = arith.maximumf %add3A_1135, %max3A_1137 : vector<128x128xf32>
    %sub3A_1139 = vector.broadcast %custom_jvp_call3A_1136 : f32 to vector<128x128xf32>
    %sub3A_1140 = arith.subf %add3A_1135, %sub3A_1139 : vector<128x128xf32>
    %ne3A_1141 = arith.cmpf one, %sub3A_1140, %sub3A_1140 : vector<128x128xf32>
    %add3A_1142 = vector.broadcast %custom_jvp_call3A_1136 : f32 to vector<128x128xf32>
    %add3A_1143 = arith.addf %add3A_1135, %add3A_1142 : vector<128x128xf32>
    %abs3A_1144 = math.absf %sub3A_1140 : vector<128x128xf32>
    %neg3A_1145 = arith.constant 0.000000e+00 : f32
    %neg3A_1146 = vector.broadcast %neg3A_1145 : f32 to vector<128x128xf32>
    %neg3A_1147 = arith.subf %neg3A_1146, %abs3A_1144 : vector<128x128xf32>
    %exp3A_1148 = math.exp %neg3A_1147 : vector<128x128xf32>
    %log1p3A_1149 = math.log1p %exp3A_1148 : vector<128x128xf32>
    %add3A_1150 = arith.addf %max3A_1138, %log1p3A_1149 : vector<128x128xf32>
    %select_n3A_1151 = arith.select %ne3A_1141, %add3A_1143, %add3A_1150 : vector<128x128xi1>, vector<128x128xf32>
    %sub3A_1152 = arith.constant 0.693147182 : f32
    %sub3A_1153 = vector.broadcast %sub3A_1152 : f32 to vector<128x128xf32>
    %sub3A_1154 = arith.subf %select_n3A_1151, %sub3A_1153 : vector<128x128xf32>
    %get3A_1155 = arith.constant 0 : index
    %get3A_1156 = arith.constant 0 : index
    %get3A_1157 = vector.load %arg8[%get3A_1155, %get3A_1156] : memref<128x128xf32, #tpu.memory_space<vmem>>, vector<128x128xf32>
    %dot_general3A_1158 = arith.constant dense<0.000000e+00> : vector<128x128xf32>
    %dot_general3A_1159 = tpu.matmul %sub3A_1154, %get3A_1157, %dot_general3A_1158 {dimension_numbers = #tpu.dot_dimension_numbers<[1], [0], [0], [1], [0, 0, 1, 1], [], []>, transpose_lhs_hint = false} : vector<128x128xf32>, vector<128x128xf32>, vector<128x128xf32> -> vector<128x128xf32>
    %get3A_1160 = arith.constant 0 : index
    %get3A_1161 = arith.constant 0 : index
    %get3A_1162 = vector.load %arg9[%get3A_1160, %get3A_1161] : memref<1x128xf32, #tpu.memory_space<vmem>>, vector<1x128xf32>
    %add3A_1163 = vector.broadcast %get3A_1162 : vector<1x128xf32> to vector<128x128xf32>
    %add3A_1164 = arith.addf %dot_general3A_1159, %add3A_1163 : vector<128x128xf32>
    %get3A_1165 = arith.constant 0 : index
    %get3A_1166 = arith.constant 20 : index
    %get3A_1167 = arith.constant 0 : index
    %get3A_1168 = arith.constant 0 : index
    %get3A_1169 = vector.load %arg5[%get3A_1165, %get3A_1166, %get3A_1167, %get3A_1168] : memref<1x32x128x128xf32, #tpu.memory_space<vmem>>, vector<1x1x128x128xf32>
    %get3A_1170 = vector.shape_cast %get3A_1169 : vector<1x1x128x128xf32> to vector<128x128xf32>
    %mul3A_1171 = arith.mulf %add3A_1164, %get3A_1170 : vector<128x128xf32>
    %slice3A_1172 = vector.extract_strided_slice %mul3A {offsets = [0, 20], sizes = [128, 1], strides = [1, 1]} : vector<128x32xf32> to vector<128x1xf32>
    %mul3A_1173 = vector.broadcast %slice3A_1172 : vector<128x1xf32> to vector<128x128xf32>
    %mul3A_1174 = arith.mulf %mul3A_1171, %mul3A_1173 : vector<128x128xf32>
    %add3A_1175 = arith.addf %add3A_1119, %mul3A_1174 : vector<128x128xf32>
    %get3A_1176 = arith.constant 0 : index
    %get3A_1177 = arith.constant 0 : index
    %get3A_1178 = arith.constant 21 : index
    %get3A_1179 = arith.constant 0 : index
    %get3A_1180 = vector.load %arg2[%get3A_1176, %get3A_1177, %get3A_1178, %get3A_1179] : memref<1x25x32x128xf32, #tpu.memory_space<vmem>>, vector<1x25x1x128xf32>
    %get3A_1181 = vector.shape_cast %get3A_1180 : vector<1x25x1x128xf32> to vector<25x128xf32>
    %get3A_1182 = arith.constant 0 : index
    %get3A_1183 = arith.constant 0 : index
    %get3A_1184 = vector.load %arg6[%get3A_1182, %get3A_1183] : memref<25x128xf32, #tpu.memory_space<vmem>>, vector<25x128xf32>
    %dot_general3A_1185 = arith.constant dense<0.000000e+00> : vector<128x128xf32>
    %dot_general3A_1186 = tpu.matmul %get3A_1181, %get3A_1184, %dot_general3A_1185 {dimension_numbers = #tpu.dot_dimension_numbers<[0], [0], [1], [1], [0, 1, 1, 1], [], []>, transpose_lhs_hint = false} : vector<25x128xf32>, vector<25x128xf32>, vector<128x128xf32> -> vector<128x128xf32>
    %get3A_1187 = arith.constant 0 : index
    %get3A_1188 = arith.constant 0 : index
    %get3A_1189 = vector.load %arg7[%get3A_1187, %get3A_1188] : memref<1x128xf32, #tpu.memory_space<vmem>>, vector<1x128xf32>
    %add3A_1190 = vector.broadcast %get3A_1189 : vector<1x128xf32> to vector<128x128xf32>
    %add3A_1191 = arith.addf %dot_general3A_1186, %add3A_1190 : vector<128x128xf32>
    %custom_jvp_call3A_1192 = arith.constant 0.000000e+00 : f32
    %max3A_1193 = vector.broadcast %custom_jvp_call3A_1192 : f32 to vector<128x128xf32>
    %max3A_1194 = arith.maximumf %add3A_1191, %max3A_1193 : vector<128x128xf32>
    %sub3A_1195 = vector.broadcast %custom_jvp_call3A_1192 : f32 to vector<128x128xf32>
    %sub3A_1196 = arith.subf %add3A_1191, %sub3A_1195 : vector<128x128xf32>
    %ne3A_1197 = arith.cmpf one, %sub3A_1196, %sub3A_1196 : vector<128x128xf32>
    %add3A_1198 = vector.broadcast %custom_jvp_call3A_1192 : f32 to vector<128x128xf32>
    %add3A_1199 = arith.addf %add3A_1191, %add3A_1198 : vector<128x128xf32>
    %abs3A_1200 = math.absf %sub3A_1196 : vector<128x128xf32>
    %neg3A_1201 = arith.constant 0.000000e+00 : f32
    %neg3A_1202 = vector.broadcast %neg3A_1201 : f32 to vector<128x128xf32>
    %neg3A_1203 = arith.subf %neg3A_1202, %abs3A_1200 : vector<128x128xf32>
    %exp3A_1204 = math.exp %neg3A_1203 : vector<128x128xf32>
    %log1p3A_1205 = math.log1p %exp3A_1204 : vector<128x128xf32>
    %add3A_1206 = arith.addf %max3A_1194, %log1p3A_1205 : vector<128x128xf32>
    %select_n3A_1207 = arith.select %ne3A_1197, %add3A_1199, %add3A_1206 : vector<128x128xi1>, vector<128x128xf32>
    %sub3A_1208 = arith.constant 0.693147182 : f32
    %sub3A_1209 = vector.broadcast %sub3A_1208 : f32 to vector<128x128xf32>
    %sub3A_1210 = arith.subf %select_n3A_1207, %sub3A_1209 : vector<128x128xf32>
    %get3A_1211 = arith.constant 0 : index
    %get3A_1212 = arith.constant 0 : index
    %get3A_1213 = vector.load %arg8[%get3A_1211, %get3A_1212] : memref<128x128xf32, #tpu.memory_space<vmem>>, vector<128x128xf32>
    %dot_general3A_1214 = arith.constant dense<0.000000e+00> : vector<128x128xf32>
    %dot_general3A_1215 = tpu.matmul %sub3A_1210, %get3A_1213, %dot_general3A_1214 {dimension_numbers = #tpu.dot_dimension_numbers<[1], [0], [0], [1], [0, 0, 1, 1], [], []>, transpose_lhs_hint = false} : vector<128x128xf32>, vector<128x128xf32>, vector<128x128xf32> -> vector<128x128xf32>
    %get3A_1216 = arith.constant 0 : index
    %get3A_1217 = arith.constant 0 : index
    %get3A_1218 = vector.load %arg9[%get3A_1216, %get3A_1217] : memref<1x128xf32, #tpu.memory_space<vmem>>, vector<1x128xf32>
    %add3A_1219 = vector.broadcast %get3A_1218 : vector<1x128xf32> to vector<128x128xf32>
    %add3A_1220 = arith.addf %dot_general3A_1215, %add3A_1219 : vector<128x128xf32>
    %get3A_1221 = arith.constant 0 : index
    %get3A_1222 = arith.constant 21 : index
    %get3A_1223 = arith.constant 0 : index
    %get3A_1224 = arith.constant 0 : index
    %get3A_1225 = vector.load %arg5[%get3A_1221, %get3A_1222, %get3A_1223, %get3A_1224] : memref<1x32x128x128xf32, #tpu.memory_space<vmem>>, vector<1x1x128x128xf32>
    %get3A_1226 = vector.shape_cast %get3A_1225 : vector<1x1x128x128xf32> to vector<128x128xf32>
    %mul3A_1227 = arith.mulf %add3A_1220, %get3A_1226 : vector<128x128xf32>
    %slice3A_1228 = vector.extract_strided_slice %mul3A {offsets = [0, 21], sizes = [128, 1], strides = [1, 1]} : vector<128x32xf32> to vector<128x1xf32>
    %mul3A_1229 = vector.broadcast %slice3A_1228 : vector<128x1xf32> to vector<128x128xf32>
    %mul3A_1230 = arith.mulf %mul3A_1227, %mul3A_1229 : vector<128x128xf32>
    %add3A_1231 = arith.addf %add3A_1175, %mul3A_1230 : vector<128x128xf32>
    %get3A_1232 = arith.constant 0 : index
    %get3A_1233 = arith.constant 0 : index
    %get3A_1234 = arith.constant 22 : index
    %get3A_1235 = arith.constant 0 : index
    %get3A_1236 = vector.load %arg2[%get3A_1232, %get3A_1233, %get3A_1234, %get3A_1235] : memref<1x25x32x128xf32, #tpu.memory_space<vmem>>, vector<1x25x1x128xf32>
    %get3A_1237 = vector.shape_cast %get3A_1236 : vector<1x25x1x128xf32> to vector<25x128xf32>
    %get3A_1238 = arith.constant 0 : index
    %get3A_1239 = arith.constant 0 : index
    %get3A_1240 = vector.load %arg6[%get3A_1238, %get3A_1239] : memref<25x128xf32, #tpu.memory_space<vmem>>, vector<25x128xf32>
    %dot_general3A_1241 = arith.constant dense<0.000000e+00> : vector<128x128xf32>
    %dot_general3A_1242 = tpu.matmul %get3A_1237, %get3A_1240, %dot_general3A_1241 {dimension_numbers = #tpu.dot_dimension_numbers<[0], [0], [1], [1], [0, 1, 1, 1], [], []>, transpose_lhs_hint = false} : vector<25x128xf32>, vector<25x128xf32>, vector<128x128xf32> -> vector<128x128xf32>
    %get3A_1243 = arith.constant 0 : index
    %get3A_1244 = arith.constant 0 : index
    %get3A_1245 = vector.load %arg7[%get3A_1243, %get3A_1244] : memref<1x128xf32, #tpu.memory_space<vmem>>, vector<1x128xf32>
    %add3A_1246 = vector.broadcast %get3A_1245 : vector<1x128xf32> to vector<128x128xf32>
    %add3A_1247 = arith.addf %dot_general3A_1242, %add3A_1246 : vector<128x128xf32>
    %custom_jvp_call3A_1248 = arith.constant 0.000000e+00 : f32
    %max3A_1249 = vector.broadcast %custom_jvp_call3A_1248 : f32 to vector<128x128xf32>
    %max3A_1250 = arith.maximumf %add3A_1247, %max3A_1249 : vector<128x128xf32>
    %sub3A_1251 = vector.broadcast %custom_jvp_call3A_1248 : f32 to vector<128x128xf32>
    %sub3A_1252 = arith.subf %add3A_1247, %sub3A_1251 : vector<128x128xf32>
    %ne3A_1253 = arith.cmpf one, %sub3A_1252, %sub3A_1252 : vector<128x128xf32>
    %add3A_1254 = vector.broadcast %custom_jvp_call3A_1248 : f32 to vector<128x128xf32>
    %add3A_1255 = arith.addf %add3A_1247, %add3A_1254 : vector<128x128xf32>
    %abs3A_1256 = math.absf %sub3A_1252 : vector<128x128xf32>
    %neg3A_1257 = arith.constant 0.000000e+00 : f32
    %neg3A_1258 = vector.broadcast %neg3A_1257 : f32 to vector<128x128xf32>
    %neg3A_1259 = arith.subf %neg3A_1258, %abs3A_1256 : vector<128x128xf32>
    %exp3A_1260 = math.exp %neg3A_1259 : vector<128x128xf32>
    %log1p3A_1261 = math.log1p %exp3A_1260 : vector<128x128xf32>
    %add3A_1262 = arith.addf %max3A_1250, %log1p3A_1261 : vector<128x128xf32>
    %select_n3A_1263 = arith.select %ne3A_1253, %add3A_1255, %add3A_1262 : vector<128x128xi1>, vector<128x128xf32>
    %sub3A_1264 = arith.constant 0.693147182 : f32
    %sub3A_1265 = vector.broadcast %sub3A_1264 : f32 to vector<128x128xf32>
    %sub3A_1266 = arith.subf %select_n3A_1263, %sub3A_1265 : vector<128x128xf32>
    %get3A_1267 = arith.constant 0 : index
    %get3A_1268 = arith.constant 0 : index
    %get3A_1269 = vector.load %arg8[%get3A_1267, %get3A_1268] : memref<128x128xf32, #tpu.memory_space<vmem>>, vector<128x128xf32>
    %dot_general3A_1270 = arith.constant dense<0.000000e+00> : vector<128x128xf32>
    %dot_general3A_1271 = tpu.matmul %sub3A_1266, %get3A_1269, %dot_general3A_1270 {dimension_numbers = #tpu.dot_dimension_numbers<[1], [0], [0], [1], [0, 0, 1, 1], [], []>, transpose_lhs_hint = false} : vector<128x128xf32>, vector<128x128xf32>, vector<128x128xf32> -> vector<128x128xf32>
    %get3A_1272 = arith.constant 0 : index
    %get3A_1273 = arith.constant 0 : index
    %get3A_1274 = vector.load %arg9[%get3A_1272, %get3A_1273] : memref<1x128xf32, #tpu.memory_space<vmem>>, vector<1x128xf32>
    %add3A_1275 = vector.broadcast %get3A_1274 : vector<1x128xf32> to vector<128x128xf32>
    %add3A_1276 = arith.addf %dot_general3A_1271, %add3A_1275 : vector<128x128xf32>
    %get3A_1277 = arith.constant 0 : index
    %get3A_1278 = arith.constant 22 : index
    %get3A_1279 = arith.constant 0 : index
    %get3A_1280 = arith.constant 0 : index
    %get3A_1281 = vector.load %arg5[%get3A_1277, %get3A_1278, %get3A_1279, %get3A_1280] : memref<1x32x128x128xf32, #tpu.memory_space<vmem>>, vector<1x1x128x128xf32>
    %get3A_1282 = vector.shape_cast %get3A_1281 : vector<1x1x128x128xf32> to vector<128x128xf32>
    %mul3A_1283 = arith.mulf %add3A_1276, %get3A_1282 : vector<128x128xf32>
    %slice3A_1284 = vector.extract_strided_slice %mul3A {offsets = [0, 22], sizes = [128, 1], strides = [1, 1]} : vector<128x32xf32> to vector<128x1xf32>
    %mul3A_1285 = vector.broadcast %slice3A_1284 : vector<128x1xf32> to vector<128x128xf32>
    %mul3A_1286 = arith.mulf %mul3A_1283, %mul3A_1285 : vector<128x128xf32>
    %add3A_1287 = arith.addf %add3A_1231, %mul3A_1286 : vector<128x128xf32>
    %get3A_1288 = arith.constant 0 : index
    %get3A_1289 = arith.constant 0 : index
    %get3A_1290 = arith.constant 23 : index
    %get3A_1291 = arith.constant 0 : index
    %get3A_1292 = vector.load %arg2[%get3A_1288, %get3A_1289, %get3A_1290, %get3A_1291] : memref<1x25x32x128xf32, #tpu.memory_space<vmem>>, vector<1x25x1x128xf32>
    %get3A_1293 = vector.shape_cast %get3A_1292 : vector<1x25x1x128xf32> to vector<25x128xf32>
    %get3A_1294 = arith.constant 0 : index
    %get3A_1295 = arith.constant 0 : index
    %get3A_1296 = vector.load %arg6[%get3A_1294, %get3A_1295] : memref<25x128xf32, #tpu.memory_space<vmem>>, vector<25x128xf32>
    %dot_general3A_1297 = arith.constant dense<0.000000e+00> : vector<128x128xf32>
    %dot_general3A_1298 = tpu.matmul %get3A_1293, %get3A_1296, %dot_general3A_1297 {dimension_numbers = #tpu.dot_dimension_numbers<[0], [0], [1], [1], [0, 1, 1, 1], [], []>, transpose_lhs_hint = false} : vector<25x128xf32>, vector<25x128xf32>, vector<128x128xf32> -> vector<128x128xf32>
    %get3A_1299 = arith.constant 0 : index
    %get3A_1300 = arith.constant 0 : index
    %get3A_1301 = vector.load %arg7[%get3A_1299, %get3A_1300] : memref<1x128xf32, #tpu.memory_space<vmem>>, vector<1x128xf32>
    %add3A_1302 = vector.broadcast %get3A_1301 : vector<1x128xf32> to vector<128x128xf32>
    %add3A_1303 = arith.addf %dot_general3A_1298, %add3A_1302 : vector<128x128xf32>
    %custom_jvp_call3A_1304 = arith.constant 0.000000e+00 : f32
    %max3A_1305 = vector.broadcast %custom_jvp_call3A_1304 : f32 to vector<128x128xf32>
    %max3A_1306 = arith.maximumf %add3A_1303, %max3A_1305 : vector<128x128xf32>
    %sub3A_1307 = vector.broadcast %custom_jvp_call3A_1304 : f32 to vector<128x128xf32>
    %sub3A_1308 = arith.subf %add3A_1303, %sub3A_1307 : vector<128x128xf32>
    %ne3A_1309 = arith.cmpf one, %sub3A_1308, %sub3A_1308 : vector<128x128xf32>
    %add3A_1310 = vector.broadcast %custom_jvp_call3A_1304 : f32 to vector<128x128xf32>
    %add3A_1311 = arith.addf %add3A_1303, %add3A_1310 : vector<128x128xf32>
    %abs3A_1312 = math.absf %sub3A_1308 : vector<128x128xf32>
    %neg3A_1313 = arith.constant 0.000000e+00 : f32
    %neg3A_1314 = vector.broadcast %neg3A_1313 : f32 to vector<128x128xf32>
    %neg3A_1315 = arith.subf %neg3A_1314, %abs3A_1312 : vector<128x128xf32>
    %exp3A_1316 = math.exp %neg3A_1315 : vector<128x128xf32>
    %log1p3A_1317 = math.log1p %exp3A_1316 : vector<128x128xf32>
    %add3A_1318 = arith.addf %max3A_1306, %log1p3A_1317 : vector<128x128xf32>
    %select_n3A_1319 = arith.select %ne3A_1309, %add3A_1311, %add3A_1318 : vector<128x128xi1>, vector<128x128xf32>
    %sub3A_1320 = arith.constant 0.693147182 : f32
    %sub3A_1321 = vector.broadcast %sub3A_1320 : f32 to vector<128x128xf32>
    %sub3A_1322 = arith.subf %select_n3A_1319, %sub3A_1321 : vector<128x128xf32>
    %get3A_1323 = arith.constant 0 : index
    %get3A_1324 = arith.constant 0 : index
    %get3A_1325 = vector.load %arg8[%get3A_1323, %get3A_1324] : memref<128x128xf32, #tpu.memory_space<vmem>>, vector<128x128xf32>
    %dot_general3A_1326 = arith.constant dense<0.000000e+00> : vector<128x128xf32>
    %dot_general3A_1327 = tpu.matmul %sub3A_1322, %get3A_1325, %dot_general3A_1326 {dimension_numbers = #tpu.dot_dimension_numbers<[1], [0], [0], [1], [0, 0, 1, 1], [], []>, transpose_lhs_hint = false} : vector<128x128xf32>, vector<128x128xf32>, vector<128x128xf32> -> vector<128x128xf32>
    %get3A_1328 = arith.constant 0 : index
    %get3A_1329 = arith.constant 0 : index
    %get3A_1330 = vector.load %arg9[%get3A_1328, %get3A_1329] : memref<1x128xf32, #tpu.memory_space<vmem>>, vector<1x128xf32>
    %add3A_1331 = vector.broadcast %get3A_1330 : vector<1x128xf32> to vector<128x128xf32>
    %add3A_1332 = arith.addf %dot_general3A_1327, %add3A_1331 : vector<128x128xf32>
    %get3A_1333 = arith.constant 0 : index
    %get3A_1334 = arith.constant 23 : index
    %get3A_1335 = arith.constant 0 : index
    %get3A_1336 = arith.constant 0 : index
    %get3A_1337 = vector.load %arg5[%get3A_1333, %get3A_1334, %get3A_1335, %get3A_1336] : memref<1x32x128x128xf32, #tpu.memory_space<vmem>>, vector<1x1x128x128xf32>
    %get3A_1338 = vector.shape_cast %get3A_1337 : vector<1x1x128x128xf32> to vector<128x128xf32>
    %mul3A_1339 = arith.mulf %add3A_1332, %get3A_1338 : vector<128x128xf32>
    %slice3A_1340 = vector.extract_strided_slice %mul3A {offsets = [0, 23], sizes = [128, 1], strides = [1, 1]} : vector<128x32xf32> to vector<128x1xf32>
    %mul3A_1341 = vector.broadcast %slice3A_1340 : vector<128x1xf32> to vector<128x128xf32>
    %mul3A_1342 = arith.mulf %mul3A_1339, %mul3A_1341 : vector<128x128xf32>
    %add3A_1343 = arith.addf %add3A_1287, %mul3A_1342 : vector<128x128xf32>
    %get3A_1344 = arith.constant 0 : index
    %get3A_1345 = arith.constant 0 : index
    %get3A_1346 = arith.constant 24 : index
    %get3A_1347 = arith.constant 0 : index
    %get3A_1348 = vector.load %arg2[%get3A_1344, %get3A_1345, %get3A_1346, %get3A_1347] : memref<1x25x32x128xf32, #tpu.memory_space<vmem>>, vector<1x25x1x128xf32>
    %get3A_1349 = vector.shape_cast %get3A_1348 : vector<1x25x1x128xf32> to vector<25x128xf32>
    %get3A_1350 = arith.constant 0 : index
    %get3A_1351 = arith.constant 0 : index
    %get3A_1352 = vector.load %arg6[%get3A_1350, %get3A_1351] : memref<25x128xf32, #tpu.memory_space<vmem>>, vector<25x128xf32>
    %dot_general3A_1353 = arith.constant dense<0.000000e+00> : vector<128x128xf32>
    %dot_general3A_1354 = tpu.matmul %get3A_1349, %get3A_1352, %dot_general3A_1353 {dimension_numbers = #tpu.dot_dimension_numbers<[0], [0], [1], [1], [0, 1, 1, 1], [], []>, transpose_lhs_hint = false} : vector<25x128xf32>, vector<25x128xf32>, vector<128x128xf32> -> vector<128x128xf32>
    %get3A_1355 = arith.constant 0 : index
    %get3A_1356 = arith.constant 0 : index
    %get3A_1357 = vector.load %arg7[%get3A_1355, %get3A_1356] : memref<1x128xf32, #tpu.memory_space<vmem>>, vector<1x128xf32>
    %add3A_1358 = vector.broadcast %get3A_1357 : vector<1x128xf32> to vector<128x128xf32>
    %add3A_1359 = arith.addf %dot_general3A_1354, %add3A_1358 : vector<128x128xf32>
    %custom_jvp_call3A_1360 = arith.constant 0.000000e+00 : f32
    %max3A_1361 = vector.broadcast %custom_jvp_call3A_1360 : f32 to vector<128x128xf32>
    %max3A_1362 = arith.maximumf %add3A_1359, %max3A_1361 : vector<128x128xf32>
    %sub3A_1363 = vector.broadcast %custom_jvp_call3A_1360 : f32 to vector<128x128xf32>
    %sub3A_1364 = arith.subf %add3A_1359, %sub3A_1363 : vector<128x128xf32>
    %ne3A_1365 = arith.cmpf one, %sub3A_1364, %sub3A_1364 : vector<128x128xf32>
    %add3A_1366 = vector.broadcast %custom_jvp_call3A_1360 : f32 to vector<128x128xf32>
    %add3A_1367 = arith.addf %add3A_1359, %add3A_1366 : vector<128x128xf32>
    %abs3A_1368 = math.absf %sub3A_1364 : vector<128x128xf32>
    %neg3A_1369 = arith.constant 0.000000e+00 : f32
    %neg3A_1370 = vector.broadcast %neg3A_1369 : f32 to vector<128x128xf32>
    %neg3A_1371 = arith.subf %neg3A_1370, %abs3A_1368 : vector<128x128xf32>
    %exp3A_1372 = math.exp %neg3A_1371 : vector<128x128xf32>
    %log1p3A_1373 = math.log1p %exp3A_1372 : vector<128x128xf32>
    %add3A_1374 = arith.addf %max3A_1362, %log1p3A_1373 : vector<128x128xf32>
    %select_n3A_1375 = arith.select %ne3A_1365, %add3A_1367, %add3A_1374 : vector<128x128xi1>, vector<128x128xf32>
    %sub3A_1376 = arith.constant 0.693147182 : f32
    %sub3A_1377 = vector.broadcast %sub3A_1376 : f32 to vector<128x128xf32>
    %sub3A_1378 = arith.subf %select_n3A_1375, %sub3A_1377 : vector<128x128xf32>
    %get3A_1379 = arith.constant 0 : index
    %get3A_1380 = arith.constant 0 : index
    %get3A_1381 = vector.load %arg8[%get3A_1379, %get3A_1380] : memref<128x128xf32, #tpu.memory_space<vmem>>, vector<128x128xf32>
    %dot_general3A_1382 = arith.constant dense<0.000000e+00> : vector<128x128xf32>
    %dot_general3A_1383 = tpu.matmul %sub3A_1378, %get3A_1381, %dot_general3A_1382 {dimension_numbers = #tpu.dot_dimension_numbers<[1], [0], [0], [1], [0, 0, 1, 1], [], []>, transpose_lhs_hint = false} : vector<128x128xf32>, vector<128x128xf32>, vector<128x128xf32> -> vector<128x128xf32>
    %get3A_1384 = arith.constant 0 : index
    %get3A_1385 = arith.constant 0 : index
    %get3A_1386 = vector.load %arg9[%get3A_1384, %get3A_1385] : memref<1x128xf32, #tpu.memory_space<vmem>>, vector<1x128xf32>
    %add3A_1387 = vector.broadcast %get3A_1386 : vector<1x128xf32> to vector<128x128xf32>
    %add3A_1388 = arith.addf %dot_general3A_1383, %add3A_1387 : vector<128x128xf32>
    %get3A_1389 = arith.constant 0 : index
    %get3A_1390 = arith.constant 24 : index
    %get3A_1391 = arith.constant 0 : index
    %get3A_1392 = arith.constant 0 : index
    %get3A_1393 = vector.load %arg5[%get3A_1389, %get3A_1390, %get3A_1391, %get3A_1392] : memref<1x32x128x128xf32, #tpu.memory_space<vmem>>, vector<1x1x128x128xf32>
    %get3A_1394 = vector.shape_cast %get3A_1393 : vector<1x1x128x128xf32> to vector<128x128xf32>
    %mul3A_1395 = arith.mulf %add3A_1388, %get3A_1394 : vector<128x128xf32>
    %slice3A_1396 = vector.extract_strided_slice %mul3A {offsets = [0, 24], sizes = [128, 1], strides = [1, 1]} : vector<128x32xf32> to vector<128x1xf32>
    %mul3A_1397 = vector.broadcast %slice3A_1396 : vector<128x1xf32> to vector<128x128xf32>
    %mul3A_1398 = arith.mulf %mul3A_1395, %mul3A_1397 : vector<128x128xf32>
    %add3A_1399 = arith.addf %add3A_1343, %mul3A_1398 : vector<128x128xf32>
    %get3A_1400 = arith.constant 0 : index
    %get3A_1401 = arith.constant 0 : index
    %get3A_1402 = arith.constant 25 : index
    %get3A_1403 = arith.constant 0 : index
    %get3A_1404 = vector.load %arg2[%get3A_1400, %get3A_1401, %get3A_1402, %get3A_1403] : memref<1x25x32x128xf32, #tpu.memory_space<vmem>>, vector<1x25x1x128xf32>
    %get3A_1405 = vector.shape_cast %get3A_1404 : vector<1x25x1x128xf32> to vector<25x128xf32>
    %get3A_1406 = arith.constant 0 : index
    %get3A_1407 = arith.constant 0 : index
    %get3A_1408 = vector.load %arg6[%get3A_1406, %get3A_1407] : memref<25x128xf32, #tpu.memory_space<vmem>>, vector<25x128xf32>
    %dot_general3A_1409 = arith.constant dense<0.000000e+00> : vector<128x128xf32>
    %dot_general3A_1410 = tpu.matmul %get3A_1405, %get3A_1408, %dot_general3A_1409 {dimension_numbers = #tpu.dot_dimension_numbers<[0], [0], [1], [1], [0, 1, 1, 1], [], []>, transpose_lhs_hint = false} : vector<25x128xf32>, vector<25x128xf32>, vector<128x128xf32> -> vector<128x128xf32>
    %get3A_1411 = arith.constant 0 : index
    %get3A_1412 = arith.constant 0 : index
    %get3A_1413 = vector.load %arg7[%get3A_1411, %get3A_1412] : memref<1x128xf32, #tpu.memory_space<vmem>>, vector<1x128xf32>
    %add3A_1414 = vector.broadcast %get3A_1413 : vector<1x128xf32> to vector<128x128xf32>
    %add3A_1415 = arith.addf %dot_general3A_1410, %add3A_1414 : vector<128x128xf32>
    %custom_jvp_call3A_1416 = arith.constant 0.000000e+00 : f32
    %max3A_1417 = vector.broadcast %custom_jvp_call3A_1416 : f32 to vector<128x128xf32>
    %max3A_1418 = arith.maximumf %add3A_1415, %max3A_1417 : vector<128x128xf32>
    %sub3A_1419 = vector.broadcast %custom_jvp_call3A_1416 : f32 to vector<128x128xf32>
    %sub3A_1420 = arith.subf %add3A_1415, %sub3A_1419 : vector<128x128xf32>
    %ne3A_1421 = arith.cmpf one, %sub3A_1420, %sub3A_1420 : vector<128x128xf32>
    %add3A_1422 = vector.broadcast %custom_jvp_call3A_1416 : f32 to vector<128x128xf32>
    %add3A_1423 = arith.addf %add3A_1415, %add3A_1422 : vector<128x128xf32>
    %abs3A_1424 = math.absf %sub3A_1420 : vector<128x128xf32>
    %neg3A_1425 = arith.constant 0.000000e+00 : f32
    %neg3A_1426 = vector.broadcast %neg3A_1425 : f32 to vector<128x128xf32>
    %neg3A_1427 = arith.subf %neg3A_1426, %abs3A_1424 : vector<128x128xf32>
    %exp3A_1428 = math.exp %neg3A_1427 : vector<128x128xf32>
    %log1p3A_1429 = math.log1p %exp3A_1428 : vector<128x128xf32>
    %add3A_1430 = arith.addf %max3A_1418, %log1p3A_1429 : vector<128x128xf32>
    %select_n3A_1431 = arith.select %ne3A_1421, %add3A_1423, %add3A_1430 : vector<128x128xi1>, vector<128x128xf32>
    %sub3A_1432 = arith.constant 0.693147182 : f32
    %sub3A_1433 = vector.broadcast %sub3A_1432 : f32 to vector<128x128xf32>
    %sub3A_1434 = arith.subf %select_n3A_1431, %sub3A_1433 : vector<128x128xf32>
    %get3A_1435 = arith.constant 0 : index
    %get3A_1436 = arith.constant 0 : index
    %get3A_1437 = vector.load %arg8[%get3A_1435, %get3A_1436] : memref<128x128xf32, #tpu.memory_space<vmem>>, vector<128x128xf32>
    %dot_general3A_1438 = arith.constant dense<0.000000e+00> : vector<128x128xf32>
    %dot_general3A_1439 = tpu.matmul %sub3A_1434, %get3A_1437, %dot_general3A_1438 {dimension_numbers = #tpu.dot_dimension_numbers<[1], [0], [0], [1], [0, 0, 1, 1], [], []>, transpose_lhs_hint = false} : vector<128x128xf32>, vector<128x128xf32>, vector<128x128xf32> -> vector<128x128xf32>
    %get3A_1440 = arith.constant 0 : index
    %get3A_1441 = arith.constant 0 : index
    %get3A_1442 = vector.load %arg9[%get3A_1440, %get3A_1441] : memref<1x128xf32, #tpu.memory_space<vmem>>, vector<1x128xf32>
    %add3A_1443 = vector.broadcast %get3A_1442 : vector<1x128xf32> to vector<128x128xf32>
    %add3A_1444 = arith.addf %dot_general3A_1439, %add3A_1443 : vector<128x128xf32>
    %get3A_1445 = arith.constant 0 : index
    %get3A_1446 = arith.constant 25 : index
    %get3A_1447 = arith.constant 0 : index
    %get3A_1448 = arith.constant 0 : index
    %get3A_1449 = vector.load %arg5[%get3A_1445, %get3A_1446, %get3A_1447, %get3A_1448] : memref<1x32x128x128xf32, #tpu.memory_space<vmem>>, vector<1x1x128x128xf32>
    %get3A_1450 = vector.shape_cast %get3A_1449 : vector<1x1x128x128xf32> to vector<128x128xf32>
    %mul3A_1451 = arith.mulf %add3A_1444, %get3A_1450 : vector<128x128xf32>
    %slice3A_1452 = vector.extract_strided_slice %mul3A {offsets = [0, 25], sizes = [128, 1], strides = [1, 1]} : vector<128x32xf32> to vector<128x1xf32>
    %mul3A_1453 = vector.broadcast %slice3A_1452 : vector<128x1xf32> to vector<128x128xf32>
    %mul3A_1454 = arith.mulf %mul3A_1451, %mul3A_1453 : vector<128x128xf32>
    %add3A_1455 = arith.addf %add3A_1399, %mul3A_1454 : vector<128x128xf32>
    %get3A_1456 = arith.constant 0 : index
    %get3A_1457 = arith.constant 0 : index
    %get3A_1458 = arith.constant 26 : index
    %get3A_1459 = arith.constant 0 : index
    %get3A_1460 = vector.load %arg2[%get3A_1456, %get3A_1457, %get3A_1458, %get3A_1459] : memref<1x25x32x128xf32, #tpu.memory_space<vmem>>, vector<1x25x1x128xf32>
    %get3A_1461 = vector.shape_cast %get3A_1460 : vector<1x25x1x128xf32> to vector<25x128xf32>
    %get3A_1462 = arith.constant 0 : index
    %get3A_1463 = arith.constant 0 : index
    %get3A_1464 = vector.load %arg6[%get3A_1462, %get3A_1463] : memref<25x128xf32, #tpu.memory_space<vmem>>, vector<25x128xf32>
    %dot_general3A_1465 = arith.constant dense<0.000000e+00> : vector<128x128xf32>
    %dot_general3A_1466 = tpu.matmul %get3A_1461, %get3A_1464, %dot_general3A_1465 {dimension_numbers = #tpu.dot_dimension_numbers<[0], [0], [1], [1], [0, 1, 1, 1], [], []>, transpose_lhs_hint = false} : vector<25x128xf32>, vector<25x128xf32>, vector<128x128xf32> -> vector<128x128xf32>
    %get3A_1467 = arith.constant 0 : index
    %get3A_1468 = arith.constant 0 : index
    %get3A_1469 = vector.load %arg7[%get3A_1467, %get3A_1468] : memref<1x128xf32, #tpu.memory_space<vmem>>, vector<1x128xf32>
    %add3A_1470 = vector.broadcast %get3A_1469 : vector<1x128xf32> to vector<128x128xf32>
    %add3A_1471 = arith.addf %dot_general3A_1466, %add3A_1470 : vector<128x128xf32>
    %custom_jvp_call3A_1472 = arith.constant 0.000000e+00 : f32
    %max3A_1473 = vector.broadcast %custom_jvp_call3A_1472 : f32 to vector<128x128xf32>
    %max3A_1474 = arith.maximumf %add3A_1471, %max3A_1473 : vector<128x128xf32>
    %sub3A_1475 = vector.broadcast %custom_jvp_call3A_1472 : f32 to vector<128x128xf32>
    %sub3A_1476 = arith.subf %add3A_1471, %sub3A_1475 : vector<128x128xf32>
    %ne3A_1477 = arith.cmpf one, %sub3A_1476, %sub3A_1476 : vector<128x128xf32>
    %add3A_1478 = vector.broadcast %custom_jvp_call3A_1472 : f32 to vector<128x128xf32>
    %add3A_1479 = arith.addf %add3A_1471, %add3A_1478 : vector<128x128xf32>
    %abs3A_1480 = math.absf %sub3A_1476 : vector<128x128xf32>
    %neg3A_1481 = arith.constant 0.000000e+00 : f32
    %neg3A_1482 = vector.broadcast %neg3A_1481 : f32 to vector<128x128xf32>
    %neg3A_1483 = arith.subf %neg3A_1482, %abs3A_1480 : vector<128x128xf32>
    %exp3A_1484 = math.exp %neg3A_1483 : vector<128x128xf32>
    %log1p3A_1485 = math.log1p %exp3A_1484 : vector<128x128xf32>
    %add3A_1486 = arith.addf %max3A_1474, %log1p3A_1485 : vector<128x128xf32>
    %select_n3A_1487 = arith.select %ne3A_1477, %add3A_1479, %add3A_1486 : vector<128x128xi1>, vector<128x128xf32>
    %sub3A_1488 = arith.constant 0.693147182 : f32
    %sub3A_1489 = vector.broadcast %sub3A_1488 : f32 to vector<128x128xf32>
    %sub3A_1490 = arith.subf %select_n3A_1487, %sub3A_1489 : vector<128x128xf32>
    %get3A_1491 = arith.constant 0 : index
    %get3A_1492 = arith.constant 0 : index
    %get3A_1493 = vector.load %arg8[%get3A_1491, %get3A_1492] : memref<128x128xf32, #tpu.memory_space<vmem>>, vector<128x128xf32>
    %dot_general3A_1494 = arith.constant dense<0.000000e+00> : vector<128x128xf32>
    %dot_general3A_1495 = tpu.matmul %sub3A_1490, %get3A_1493, %dot_general3A_1494 {dimension_numbers = #tpu.dot_dimension_numbers<[1], [0], [0], [1], [0, 0, 1, 1], [], []>, transpose_lhs_hint = false} : vector<128x128xf32>, vector<128x128xf32>, vector<128x128xf32> -> vector<128x128xf32>
    %get3A_1496 = arith.constant 0 : index
    %get3A_1497 = arith.constant 0 : index
    %get3A_1498 = vector.load %arg9[%get3A_1496, %get3A_1497] : memref<1x128xf32, #tpu.memory_space<vmem>>, vector<1x128xf32>
    %add3A_1499 = vector.broadcast %get3A_1498 : vector<1x128xf32> to vector<128x128xf32>
    %add3A_1500 = arith.addf %dot_general3A_1495, %add3A_1499 : vector<128x128xf32>
    %get3A_1501 = arith.constant 0 : index
    %get3A_1502 = arith.constant 26 : index
    %get3A_1503 = arith.constant 0 : index
    %get3A_1504 = arith.constant 0 : index
    %get3A_1505 = vector.load %arg5[%get3A_1501, %get3A_1502, %get3A_1503, %get3A_1504] : memref<1x32x128x128xf32, #tpu.memory_space<vmem>>, vector<1x1x128x128xf32>
    %get3A_1506 = vector.shape_cast %get3A_1505 : vector<1x1x128x128xf32> to vector<128x128xf32>
    %mul3A_1507 = arith.mulf %add3A_1500, %get3A_1506 : vector<128x128xf32>
    %slice3A_1508 = vector.extract_strided_slice %mul3A {offsets = [0, 26], sizes = [128, 1], strides = [1, 1]} : vector<128x32xf32> to vector<128x1xf32>
    %mul3A_1509 = vector.broadcast %slice3A_1508 : vector<128x1xf32> to vector<128x128xf32>
    %mul3A_1510 = arith.mulf %mul3A_1507, %mul3A_1509 : vector<128x128xf32>
    %add3A_1511 = arith.addf %add3A_1455, %mul3A_1510 : vector<128x128xf32>
    %get3A_1512 = arith.constant 0 : index
    %get3A_1513 = arith.constant 0 : index
    %get3A_1514 = arith.constant 27 : index
    %get3A_1515 = arith.constant 0 : index
    %get3A_1516 = vector.load %arg2[%get3A_1512, %get3A_1513, %get3A_1514, %get3A_1515] : memref<1x25x32x128xf32, #tpu.memory_space<vmem>>, vector<1x25x1x128xf32>
    %get3A_1517 = vector.shape_cast %get3A_1516 : vector<1x25x1x128xf32> to vector<25x128xf32>
    %get3A_1518 = arith.constant 0 : index
    %get3A_1519 = arith.constant 0 : index
    %get3A_1520 = vector.load %arg6[%get3A_1518, %get3A_1519] : memref<25x128xf32, #tpu.memory_space<vmem>>, vector<25x128xf32>
    %dot_general3A_1521 = arith.constant dense<0.000000e+00> : vector<128x128xf32>
    %dot_general3A_1522 = tpu.matmul %get3A_1517, %get3A_1520, %dot_general3A_1521 {dimension_numbers = #tpu.dot_dimension_numbers<[0], [0], [1], [1], [0, 1, 1, 1], [], []>, transpose_lhs_hint = false} : vector<25x128xf32>, vector<25x128xf32>, vector<128x128xf32> -> vector<128x128xf32>
    %get3A_1523 = arith.constant 0 : index
    %get3A_1524 = arith.constant 0 : index
    %get3A_1525 = vector.load %arg7[%get3A_1523, %get3A_1524] : memref<1x128xf32, #tpu.memory_space<vmem>>, vector<1x128xf32>
    %add3A_1526 = vector.broadcast %get3A_1525 : vector<1x128xf32> to vector<128x128xf32>
    %add3A_1527 = arith.addf %dot_general3A_1522, %add3A_1526 : vector<128x128xf32>
    %custom_jvp_call3A_1528 = arith.constant 0.000000e+00 : f32
    %max3A_1529 = vector.broadcast %custom_jvp_call3A_1528 : f32 to vector<128x128xf32>
    %max3A_1530 = arith.maximumf %add3A_1527, %max3A_1529 : vector<128x128xf32>
    %sub3A_1531 = vector.broadcast %custom_jvp_call3A_1528 : f32 to vector<128x128xf32>
    %sub3A_1532 = arith.subf %add3A_1527, %sub3A_1531 : vector<128x128xf32>
    %ne3A_1533 = arith.cmpf one, %sub3A_1532, %sub3A_1532 : vector<128x128xf32>
    %add3A_1534 = vector.broadcast %custom_jvp_call3A_1528 : f32 to vector<128x128xf32>
    %add3A_1535 = arith.addf %add3A_1527, %add3A_1534 : vector<128x128xf32>
    %abs3A_1536 = math.absf %sub3A_1532 : vector<128x128xf32>
    %neg3A_1537 = arith.constant 0.000000e+00 : f32
    %neg3A_1538 = vector.broadcast %neg3A_1537 : f32 to vector<128x128xf32>
    %neg3A_1539 = arith.subf %neg3A_1538, %abs3A_1536 : vector<128x128xf32>
    %exp3A_1540 = math.exp %neg3A_1539 : vector<128x128xf32>
    %log1p3A_1541 = math.log1p %exp3A_1540 : vector<128x128xf32>
    %add3A_1542 = arith.addf %max3A_1530, %log1p3A_1541 : vector<128x128xf32>
    %select_n3A_1543 = arith.select %ne3A_1533, %add3A_1535, %add3A_1542 : vector<128x128xi1>, vector<128x128xf32>
    %sub3A_1544 = arith.constant 0.693147182 : f32
    %sub3A_1545 = vector.broadcast %sub3A_1544 : f32 to vector<128x128xf32>
    %sub3A_1546 = arith.subf %select_n3A_1543, %sub3A_1545 : vector<128x128xf32>
    %get3A_1547 = arith.constant 0 : index
    %get3A_1548 = arith.constant 0 : index
    %get3A_1549 = vector.load %arg8[%get3A_1547, %get3A_1548] : memref<128x128xf32, #tpu.memory_space<vmem>>, vector<128x128xf32>
    %dot_general3A_1550 = arith.constant dense<0.000000e+00> : vector<128x128xf32>
    %dot_general3A_1551 = tpu.matmul %sub3A_1546, %get3A_1549, %dot_general3A_1550 {dimension_numbers = #tpu.dot_dimension_numbers<[1], [0], [0], [1], [0, 0, 1, 1], [], []>, transpose_lhs_hint = false} : vector<128x128xf32>, vector<128x128xf32>, vector<128x128xf32> -> vector<128x128xf32>
    %get3A_1552 = arith.constant 0 : index
    %get3A_1553 = arith.constant 0 : index
    %get3A_1554 = vector.load %arg9[%get3A_1552, %get3A_1553] : memref<1x128xf32, #tpu.memory_space<vmem>>, vector<1x128xf32>
    %add3A_1555 = vector.broadcast %get3A_1554 : vector<1x128xf32> to vector<128x128xf32>
    %add3A_1556 = arith.addf %dot_general3A_1551, %add3A_1555 : vector<128x128xf32>
    %get3A_1557 = arith.constant 0 : index
    %get3A_1558 = arith.constant 27 : index
    %get3A_1559 = arith.constant 0 : index
    %get3A_1560 = arith.constant 0 : index
    %get3A_1561 = vector.load %arg5[%get3A_1557, %get3A_1558, %get3A_1559, %get3A_1560] : memref<1x32x128x128xf32, #tpu.memory_space<vmem>>, vector<1x1x128x128xf32>
    %get3A_1562 = vector.shape_cast %get3A_1561 : vector<1x1x128x128xf32> to vector<128x128xf32>
    %mul3A_1563 = arith.mulf %add3A_1556, %get3A_1562 : vector<128x128xf32>
    %slice3A_1564 = vector.extract_strided_slice %mul3A {offsets = [0, 27], sizes = [128, 1], strides = [1, 1]} : vector<128x32xf32> to vector<128x1xf32>
    %mul3A_1565 = vector.broadcast %slice3A_1564 : vector<128x1xf32> to vector<128x128xf32>
    %mul3A_1566 = arith.mulf %mul3A_1563, %mul3A_1565 : vector<128x128xf32>
    %add3A_1567 = arith.addf %add3A_1511, %mul3A_1566 : vector<128x128xf32>
    %get3A_1568 = arith.constant 0 : index
    %get3A_1569 = arith.constant 0 : index
    %get3A_1570 = arith.constant 28 : index
    %get3A_1571 = arith.constant 0 : index
    %get3A_1572 = vector.load %arg2[%get3A_1568, %get3A_1569, %get3A_1570, %get3A_1571] : memref<1x25x32x128xf32, #tpu.memory_space<vmem>>, vector<1x25x1x128xf32>
    %get3A_1573 = vector.shape_cast %get3A_1572 : vector<1x25x1x128xf32> to vector<25x128xf32>
    %get3A_1574 = arith.constant 0 : index
    %get3A_1575 = arith.constant 0 : index
    %get3A_1576 = vector.load %arg6[%get3A_1574, %get3A_1575] : memref<25x128xf32, #tpu.memory_space<vmem>>, vector<25x128xf32>
    %dot_general3A_1577 = arith.constant dense<0.000000e+00> : vector<128x128xf32>
    %dot_general3A_1578 = tpu.matmul %get3A_1573, %get3A_1576, %dot_general3A_1577 {dimension_numbers = #tpu.dot_dimension_numbers<[0], [0], [1], [1], [0, 1, 1, 1], [], []>, transpose_lhs_hint = false} : vector<25x128xf32>, vector<25x128xf32>, vector<128x128xf32> -> vector<128x128xf32>
    %get3A_1579 = arith.constant 0 : index
    %get3A_1580 = arith.constant 0 : index
    %get3A_1581 = vector.load %arg7[%get3A_1579, %get3A_1580] : memref<1x128xf32, #tpu.memory_space<vmem>>, vector<1x128xf32>
    %add3A_1582 = vector.broadcast %get3A_1581 : vector<1x128xf32> to vector<128x128xf32>
    %add3A_1583 = arith.addf %dot_general3A_1578, %add3A_1582 : vector<128x128xf32>
    %custom_jvp_call3A_1584 = arith.constant 0.000000e+00 : f32
    %max3A_1585 = vector.broadcast %custom_jvp_call3A_1584 : f32 to vector<128x128xf32>
    %max3A_1586 = arith.maximumf %add3A_1583, %max3A_1585 : vector<128x128xf32>
    %sub3A_1587 = vector.broadcast %custom_jvp_call3A_1584 : f32 to vector<128x128xf32>
    %sub3A_1588 = arith.subf %add3A_1583, %sub3A_1587 : vector<128x128xf32>
    %ne3A_1589 = arith.cmpf one, %sub3A_1588, %sub3A_1588 : vector<128x128xf32>
    %add3A_1590 = vector.broadcast %custom_jvp_call3A_1584 : f32 to vector<128x128xf32>
    %add3A_1591 = arith.addf %add3A_1583, %add3A_1590 : vector<128x128xf32>
    %abs3A_1592 = math.absf %sub3A_1588 : vector<128x128xf32>
    %neg3A_1593 = arith.constant 0.000000e+00 : f32
    %neg3A_1594 = vector.broadcast %neg3A_1593 : f32 to vector<128x128xf32>
    %neg3A_1595 = arith.subf %neg3A_1594, %abs3A_1592 : vector<128x128xf32>
    %exp3A_1596 = math.exp %neg3A_1595 : vector<128x128xf32>
    %log1p3A_1597 = math.log1p %exp3A_1596 : vector<128x128xf32>
    %add3A_1598 = arith.addf %max3A_1586, %log1p3A_1597 : vector<128x128xf32>
    %select_n3A_1599 = arith.select %ne3A_1589, %add3A_1591, %add3A_1598 : vector<128x128xi1>, vector<128x128xf32>
    %sub3A_1600 = arith.constant 0.693147182 : f32
    %sub3A_1601 = vector.broadcast %sub3A_1600 : f32 to vector<128x128xf32>
    %sub3A_1602 = arith.subf %select_n3A_1599, %sub3A_1601 : vector<128x128xf32>
    %get3A_1603 = arith.constant 0 : index
    %get3A_1604 = arith.constant 0 : index
    %get3A_1605 = vector.load %arg8[%get3A_1603, %get3A_1604] : memref<128x128xf32, #tpu.memory_space<vmem>>, vector<128x128xf32>
    %dot_general3A_1606 = arith.constant dense<0.000000e+00> : vector<128x128xf32>
    %dot_general3A_1607 = tpu.matmul %sub3A_1602, %get3A_1605, %dot_general3A_1606 {dimension_numbers = #tpu.dot_dimension_numbers<[1], [0], [0], [1], [0, 0, 1, 1], [], []>, transpose_lhs_hint = false} : vector<128x128xf32>, vector<128x128xf32>, vector<128x128xf32> -> vector<128x128xf32>
    %get3A_1608 = arith.constant 0 : index
    %get3A_1609 = arith.constant 0 : index
    %get3A_1610 = vector.load %arg9[%get3A_1608, %get3A_1609] : memref<1x128xf32, #tpu.memory_space<vmem>>, vector<1x128xf32>
    %add3A_1611 = vector.broadcast %get3A_1610 : vector<1x128xf32> to vector<128x128xf32>
    %add3A_1612 = arith.addf %dot_general3A_1607, %add3A_1611 : vector<128x128xf32>
    %get3A_1613 = arith.constant 0 : index
    %get3A_1614 = arith.constant 28 : index
    %get3A_1615 = arith.constant 0 : index
    %get3A_1616 = arith.constant 0 : index
    %get3A_1617 = vector.load %arg5[%get3A_1613, %get3A_1614, %get3A_1615, %get3A_1616] : memref<1x32x128x128xf32, #tpu.memory_space<vmem>>, vector<1x1x128x128xf32>
    %get3A_1618 = vector.shape_cast %get3A_1617 : vector<1x1x128x128xf32> to vector<128x128xf32>
    %mul3A_1619 = arith.mulf %add3A_1612, %get3A_1618 : vector<128x128xf32>
    %slice3A_1620 = vector.extract_strided_slice %mul3A {offsets = [0, 28], sizes = [128, 1], strides = [1, 1]} : vector<128x32xf32> to vector<128x1xf32>
    %mul3A_1621 = vector.broadcast %slice3A_1620 : vector<128x1xf32> to vector<128x128xf32>
    %mul3A_1622 = arith.mulf %mul3A_1619, %mul3A_1621 : vector<128x128xf32>
    %add3A_1623 = arith.addf %add3A_1567, %mul3A_1622 : vector<128x128xf32>
    %get3A_1624 = arith.constant 0 : index
    %get3A_1625 = arith.constant 0 : index
    %get3A_1626 = arith.constant 29 : index
    %get3A_1627 = arith.constant 0 : index
    %get3A_1628 = vector.load %arg2[%get3A_1624, %get3A_1625, %get3A_1626, %get3A_1627] : memref<1x25x32x128xf32, #tpu.memory_space<vmem>>, vector<1x25x1x128xf32>
    %get3A_1629 = vector.shape_cast %get3A_1628 : vector<1x25x1x128xf32> to vector<25x128xf32>
    %get3A_1630 = arith.constant 0 : index
    %get3A_1631 = arith.constant 0 : index
    %get3A_1632 = vector.load %arg6[%get3A_1630, %get3A_1631] : memref<25x128xf32, #tpu.memory_space<vmem>>, vector<25x128xf32>
    %dot_general3A_1633 = arith.constant dense<0.000000e+00> : vector<128x128xf32>
    %dot_general3A_1634 = tpu.matmul %get3A_1629, %get3A_1632, %dot_general3A_1633 {dimension_numbers = #tpu.dot_dimension_numbers<[0], [0], [1], [1], [0, 1, 1, 1], [], []>, transpose_lhs_hint = false} : vector<25x128xf32>, vector<25x128xf32>, vector<128x128xf32> -> vector<128x128xf32>
    %get3A_1635 = arith.constant 0 : index
    %get3A_1636 = arith.constant 0 : index
    %get3A_1637 = vector.load %arg7[%get3A_1635, %get3A_1636] : memref<1x128xf32, #tpu.memory_space<vmem>>, vector<1x128xf32>
    %add3A_1638 = vector.broadcast %get3A_1637 : vector<1x128xf32> to vector<128x128xf32>
    %add3A_1639 = arith.addf %dot_general3A_1634, %add3A_1638 : vector<128x128xf32>
    %custom_jvp_call3A_1640 = arith.constant 0.000000e+00 : f32
    %max3A_1641 = vector.broadcast %custom_jvp_call3A_1640 : f32 to vector<128x128xf32>
    %max3A_1642 = arith.maximumf %add3A_1639, %max3A_1641 : vector<128x128xf32>
    %sub3A_1643 = vector.broadcast %custom_jvp_call3A_1640 : f32 to vector<128x128xf32>
    %sub3A_1644 = arith.subf %add3A_1639, %sub3A_1643 : vector<128x128xf32>
    %ne3A_1645 = arith.cmpf one, %sub3A_1644, %sub3A_1644 : vector<128x128xf32>
    %add3A_1646 = vector.broadcast %custom_jvp_call3A_1640 : f32 to vector<128x128xf32>
    %add3A_1647 = arith.addf %add3A_1639, %add3A_1646 : vector<128x128xf32>
    %abs3A_1648 = math.absf %sub3A_1644 : vector<128x128xf32>
    %neg3A_1649 = arith.constant 0.000000e+00 : f32
    %neg3A_1650 = vector.broadcast %neg3A_1649 : f32 to vector<128x128xf32>
    %neg3A_1651 = arith.subf %neg3A_1650, %abs3A_1648 : vector<128x128xf32>
    %exp3A_1652 = math.exp %neg3A_1651 : vector<128x128xf32>
    %log1p3A_1653 = math.log1p %exp3A_1652 : vector<128x128xf32>
    %add3A_1654 = arith.addf %max3A_1642, %log1p3A_1653 : vector<128x128xf32>
    %select_n3A_1655 = arith.select %ne3A_1645, %add3A_1647, %add3A_1654 : vector<128x128xi1>, vector<128x128xf32>
    %sub3A_1656 = arith.constant 0.693147182 : f32
    %sub3A_1657 = vector.broadcast %sub3A_1656 : f32 to vector<128x128xf32>
    %sub3A_1658 = arith.subf %select_n3A_1655, %sub3A_1657 : vector<128x128xf32>
    %get3A_1659 = arith.constant 0 : index
    %get3A_1660 = arith.constant 0 : index
    %get3A_1661 = vector.load %arg8[%get3A_1659, %get3A_1660] : memref<128x128xf32, #tpu.memory_space<vmem>>, vector<128x128xf32>
    %dot_general3A_1662 = arith.constant dense<0.000000e+00> : vector<128x128xf32>
    %dot_general3A_1663 = tpu.matmul %sub3A_1658, %get3A_1661, %dot_general3A_1662 {dimension_numbers = #tpu.dot_dimension_numbers<[1], [0], [0], [1], [0, 0, 1, 1], [], []>, transpose_lhs_hint = false} : vector<128x128xf32>, vector<128x128xf32>, vector<128x128xf32> -> vector<128x128xf32>
    %get3A_1664 = arith.constant 0 : index
    %get3A_1665 = arith.constant 0 : index
    %get3A_1666 = vector.load %arg9[%get3A_1664, %get3A_1665] : memref<1x128xf32, #tpu.memory_space<vmem>>, vector<1x128xf32>
    %add3A_1667 = vector.broadcast %get3A_1666 : vector<1x128xf32> to vector<128x128xf32>
    %add3A_1668 = arith.addf %dot_general3A_1663, %add3A_1667 : vector<128x128xf32>
    %get3A_1669 = arith.constant 0 : index
    %get3A_1670 = arith.constant 29 : index
    %get3A_1671 = arith.constant 0 : index
    %get3A_1672 = arith.constant 0 : index
    %get3A_1673 = vector.load %arg5[%get3A_1669, %get3A_1670, %get3A_1671, %get3A_1672] : memref<1x32x128x128xf32, #tpu.memory_space<vmem>>, vector<1x1x128x128xf32>
    %get3A_1674 = vector.shape_cast %get3A_1673 : vector<1x1x128x128xf32> to vector<128x128xf32>
    %mul3A_1675 = arith.mulf %add3A_1668, %get3A_1674 : vector<128x128xf32>
    %slice3A_1676 = vector.extract_strided_slice %mul3A {offsets = [0, 29], sizes = [128, 1], strides = [1, 1]} : vector<128x32xf32> to vector<128x1xf32>
    %mul3A_1677 = vector.broadcast %slice3A_1676 : vector<128x1xf32> to vector<128x128xf32>
    %mul3A_1678 = arith.mulf %mul3A_1675, %mul3A_1677 : vector<128x128xf32>
    %add3A_1679 = arith.addf %add3A_1623, %mul3A_1678 : vector<128x128xf32>
    %get3A_1680 = arith.constant 0 : index
    %get3A_1681 = arith.constant 0 : index
    %get3A_1682 = arith.constant 30 : index
    %get3A_1683 = arith.constant 0 : index
    %get3A_1684 = vector.load %arg2[%get3A_1680, %get3A_1681, %get3A_1682, %get3A_1683] : memref<1x25x32x128xf32, #tpu.memory_space<vmem>>, vector<1x25x1x128xf32>
    %get3A_1685 = vector.shape_cast %get3A_1684 : vector<1x25x1x128xf32> to vector<25x128xf32>
    %get3A_1686 = arith.constant 0 : index
    %get3A_1687 = arith.constant 0 : index
    %get3A_1688 = vector.load %arg6[%get3A_1686, %get3A_1687] : memref<25x128xf32, #tpu.memory_space<vmem>>, vector<25x128xf32>
    %dot_general3A_1689 = arith.constant dense<0.000000e+00> : vector<128x128xf32>
    %dot_general3A_1690 = tpu.matmul %get3A_1685, %get3A_1688, %dot_general3A_1689 {dimension_numbers = #tpu.dot_dimension_numbers<[0], [0], [1], [1], [0, 1, 1, 1], [], []>, transpose_lhs_hint = false} : vector<25x128xf32>, vector<25x128xf32>, vector<128x128xf32> -> vector<128x128xf32>
    %get3A_1691 = arith.constant 0 : index
    %get3A_1692 = arith.constant 0 : index
    %get3A_1693 = vector.load %arg7[%get3A_1691, %get3A_1692] : memref<1x128xf32, #tpu.memory_space<vmem>>, vector<1x128xf32>
    %add3A_1694 = vector.broadcast %get3A_1693 : vector<1x128xf32> to vector<128x128xf32>
    %add3A_1695 = arith.addf %dot_general3A_1690, %add3A_1694 : vector<128x128xf32>
    %custom_jvp_call3A_1696 = arith.constant 0.000000e+00 : f32
    %max3A_1697 = vector.broadcast %custom_jvp_call3A_1696 : f32 to vector<128x128xf32>
    %max3A_1698 = arith.maximumf %add3A_1695, %max3A_1697 : vector<128x128xf32>
    %sub3A_1699 = vector.broadcast %custom_jvp_call3A_1696 : f32 to vector<128x128xf32>
    %sub3A_1700 = arith.subf %add3A_1695, %sub3A_1699 : vector<128x128xf32>
    %ne3A_1701 = arith.cmpf one, %sub3A_1700, %sub3A_1700 : vector<128x128xf32>
    %add3A_1702 = vector.broadcast %custom_jvp_call3A_1696 : f32 to vector<128x128xf32>
    %add3A_1703 = arith.addf %add3A_1695, %add3A_1702 : vector<128x128xf32>
    %abs3A_1704 = math.absf %sub3A_1700 : vector<128x128xf32>
    %neg3A_1705 = arith.constant 0.000000e+00 : f32
    %neg3A_1706 = vector.broadcast %neg3A_1705 : f32 to vector<128x128xf32>
    %neg3A_1707 = arith.subf %neg3A_1706, %abs3A_1704 : vector<128x128xf32>
    %exp3A_1708 = math.exp %neg3A_1707 : vector<128x128xf32>
    %log1p3A_1709 = math.log1p %exp3A_1708 : vector<128x128xf32>
    %add3A_1710 = arith.addf %max3A_1698, %log1p3A_1709 : vector<128x128xf32>
    %select_n3A_1711 = arith.select %ne3A_1701, %add3A_1703, %add3A_1710 : vector<128x128xi1>, vector<128x128xf32>
    %sub3A_1712 = arith.constant 0.693147182 : f32
    %sub3A_1713 = vector.broadcast %sub3A_1712 : f32 to vector<128x128xf32>
    %sub3A_1714 = arith.subf %select_n3A_1711, %sub3A_1713 : vector<128x128xf32>
    %get3A_1715 = arith.constant 0 : index
    %get3A_1716 = arith.constant 0 : index
    %get3A_1717 = vector.load %arg8[%get3A_1715, %get3A_1716] : memref<128x128xf32, #tpu.memory_space<vmem>>, vector<128x128xf32>
    %dot_general3A_1718 = arith.constant dense<0.000000e+00> : vector<128x128xf32>
    %dot_general3A_1719 = tpu.matmul %sub3A_1714, %get3A_1717, %dot_general3A_1718 {dimension_numbers = #tpu.dot_dimension_numbers<[1], [0], [0], [1], [0, 0, 1, 1], [], []>, transpose_lhs_hint = false} : vector<128x128xf32>, vector<128x128xf32>, vector<128x128xf32> -> vector<128x128xf32>
    %get3A_1720 = arith.constant 0 : index
    %get3A_1721 = arith.constant 0 : index
    %get3A_1722 = vector.load %arg9[%get3A_1720, %get3A_1721] : memref<1x128xf32, #tpu.memory_space<vmem>>, vector<1x128xf32>
    %add3A_1723 = vector.broadcast %get3A_1722 : vector<1x128xf32> to vector<128x128xf32>
    %add3A_1724 = arith.addf %dot_general3A_1719, %add3A_1723 : vector<128x128xf32>
    %get3A_1725 = arith.constant 0 : index
    %get3A_1726 = arith.constant 30 : index
    %get3A_1727 = arith.constant 0 : index
    %get3A_1728 = arith.constant 0 : index
    %get3A_1729 = vector.load %arg5[%get3A_1725, %get3A_1726, %get3A_1727, %get3A_1728] : memref<1x32x128x128xf32, #tpu.memory_space<vmem>>, vector<1x1x128x128xf32>
    %get3A_1730 = vector.shape_cast %get3A_1729 : vector<1x1x128x128xf32> to vector<128x128xf32>
    %mul3A_1731 = arith.mulf %add3A_1724, %get3A_1730 : vector<128x128xf32>
    %slice3A_1732 = vector.extract_strided_slice %mul3A {offsets = [0, 30], sizes = [128, 1], strides = [1, 1]} : vector<128x32xf32> to vector<128x1xf32>
    %mul3A_1733 = vector.broadcast %slice3A_1732 : vector<128x1xf32> to vector<128x128xf32>
    %mul3A_1734 = arith.mulf %mul3A_1731, %mul3A_1733 : vector<128x128xf32>
    %add3A_1735 = arith.addf %add3A_1679, %mul3A_1734 : vector<128x128xf32>
    %get3A_1736 = arith.constant 0 : index
    %get3A_1737 = arith.constant 0 : index
    %get3A_1738 = arith.constant 31 : index
    %get3A_1739 = arith.constant 0 : index
    %get3A_1740 = vector.load %arg2[%get3A_1736, %get3A_1737, %get3A_1738, %get3A_1739] : memref<1x25x32x128xf32, #tpu.memory_space<vmem>>, vector<1x25x1x128xf32>
    %get3A_1741 = vector.shape_cast %get3A_1740 : vector<1x25x1x128xf32> to vector<25x128xf32>
    %get3A_1742 = arith.constant 0 : index
    %get3A_1743 = arith.constant 0 : index
    %get3A_1744 = vector.load %arg6[%get3A_1742, %get3A_1743] : memref<25x128xf32, #tpu.memory_space<vmem>>, vector<25x128xf32>
    %dot_general3A_1745 = arith.constant dense<0.000000e+00> : vector<128x128xf32>
    %dot_general3A_1746 = tpu.matmul %get3A_1741, %get3A_1744, %dot_general3A_1745 {dimension_numbers = #tpu.dot_dimension_numbers<[0], [0], [1], [1], [0, 1, 1, 1], [], []>, transpose_lhs_hint = false} : vector<25x128xf32>, vector<25x128xf32>, vector<128x128xf32> -> vector<128x128xf32>
    %get3A_1747 = arith.constant 0 : index
    %get3A_1748 = arith.constant 0 : index
    %get3A_1749 = vector.load %arg7[%get3A_1747, %get3A_1748] : memref<1x128xf32, #tpu.memory_space<vmem>>, vector<1x128xf32>
    %add3A_1750 = vector.broadcast %get3A_1749 : vector<1x128xf32> to vector<128x128xf32>
    %add3A_1751 = arith.addf %dot_general3A_1746, %add3A_1750 : vector<128x128xf32>
    %custom_jvp_call3A_1752 = arith.constant 0.000000e+00 : f32
    %max3A_1753 = vector.broadcast %custom_jvp_call3A_1752 : f32 to vector<128x128xf32>
    %max3A_1754 = arith.maximumf %add3A_1751, %max3A_1753 : vector<128x128xf32>
    %sub3A_1755 = vector.broadcast %custom_jvp_call3A_1752 : f32 to vector<128x128xf32>
    %sub3A_1756 = arith.subf %add3A_1751, %sub3A_1755 : vector<128x128xf32>
    %ne3A_1757 = arith.cmpf one, %sub3A_1756, %sub3A_1756 : vector<128x128xf32>
    %add3A_1758 = vector.broadcast %custom_jvp_call3A_1752 : f32 to vector<128x128xf32>
    %add3A_1759 = arith.addf %add3A_1751, %add3A_1758 : vector<128x128xf32>
    %abs3A_1760 = math.absf %sub3A_1756 : vector<128x128xf32>
    %neg3A_1761 = arith.constant 0.000000e+00 : f32
    %neg3A_1762 = vector.broadcast %neg3A_1761 : f32 to vector<128x128xf32>
    %neg3A_1763 = arith.subf %neg3A_1762, %abs3A_1760 : vector<128x128xf32>
    %exp3A_1764 = math.exp %neg3A_1763 : vector<128x128xf32>
    %log1p3A_1765 = math.log1p %exp3A_1764 : vector<128x128xf32>
    %add3A_1766 = arith.addf %max3A_1754, %log1p3A_1765 : vector<128x128xf32>
    %select_n3A_1767 = arith.select %ne3A_1757, %add3A_1759, %add3A_1766 : vector<128x128xi1>, vector<128x128xf32>
    %sub3A_1768 = arith.constant 0.693147182 : f32
    %sub3A_1769 = vector.broadcast %sub3A_1768 : f32 to vector<128x128xf32>
    %sub3A_1770 = arith.subf %select_n3A_1767, %sub3A_1769 : vector<128x128xf32>
    %get3A_1771 = arith.constant 0 : index
    %get3A_1772 = arith.constant 0 : index
    %get3A_1773 = vector.load %arg8[%get3A_1771, %get3A_1772] : memref<128x128xf32, #tpu.memory_space<vmem>>, vector<128x128xf32>
    %dot_general3A_1774 = arith.constant dense<0.000000e+00> : vector<128x128xf32>
    %dot_general3A_1775 = tpu.matmul %sub3A_1770, %get3A_1773, %dot_general3A_1774 {dimension_numbers = #tpu.dot_dimension_numbers<[1], [0], [0], [1], [0, 0, 1, 1], [], []>, transpose_lhs_hint = false} : vector<128x128xf32>, vector<128x128xf32>, vector<128x128xf32> -> vector<128x128xf32>
    %get3A_1776 = arith.constant 0 : index
    %get3A_1777 = arith.constant 0 : index
    %get3A_1778 = vector.load %arg9[%get3A_1776, %get3A_1777] : memref<1x128xf32, #tpu.memory_space<vmem>>, vector<1x128xf32>
    %add3A_1779 = vector.broadcast %get3A_1778 : vector<1x128xf32> to vector<128x128xf32>
    %add3A_1780 = arith.addf %dot_general3A_1775, %add3A_1779 : vector<128x128xf32>
    %get3A_1781 = arith.constant 0 : index
    %get3A_1782 = arith.constant 31 : index
    %get3A_1783 = arith.constant 0 : index
    %get3A_1784 = arith.constant 0 : index
    %get3A_1785 = vector.load %arg5[%get3A_1781, %get3A_1782, %get3A_1783, %get3A_1784] : memref<1x32x128x128xf32, #tpu.memory_space<vmem>>, vector<1x1x128x128xf32>
    %get3A_1786 = vector.shape_cast %get3A_1785 : vector<1x1x128x128xf32> to vector<128x128xf32>
    %mul3A_1787 = arith.mulf %add3A_1780, %get3A_1786 : vector<128x128xf32>
    %slice3A_1788 = vector.extract_strided_slice %mul3A {offsets = [0, 31], sizes = [128, 1], strides = [1, 1]} : vector<128x32xf32> to vector<128x1xf32>
    %mul3A_1789 = vector.broadcast %slice3A_1788 : vector<128x1xf32> to vector<128x128xf32>
    %mul3A_1790 = arith.mulf %mul3A_1787, %mul3A_1789 : vector<128x128xf32>
    %add3A_1791 = arith.addf %add3A_1735, %mul3A_1790 : vector<128x128xf32>
    %get3A_1792 = arith.constant 0 : index
    %get3A_1793 = arith.constant 0 : index
    %get3A_1794 = vector.load %arg10[%get3A_1792, %get3A_1793] : memref<128x128xf32, #tpu.memory_space<vmem>>, vector<128x128xf32>
    %dot_general3A_1795 = arith.constant dense<0.000000e+00> : vector<128x128xf32>
    %dot_general3A_1796 = tpu.matmul %add3A_1791, %get3A_1794, %dot_general3A_1795 {dimension_numbers = #tpu.dot_dimension_numbers<[1], [0], [0], [1], [0, 0, 1, 1], [], []>, transpose_lhs_hint = false} : vector<128x128xf32>, vector<128x128xf32>, vector<128x128xf32> -> vector<128x128xf32>
    %get3A_1797 = arith.constant 0 : index
    %get3A_1798 = arith.constant 0 : index
    %get3A_1799 = vector.load %arg11[%get3A_1797, %get3A_1798] : memref<1x128xf32, #tpu.memory_space<vmem>>, vector<1x128xf32>
    %add3A_1800 = vector.broadcast %get3A_1799 : vector<1x128xf32> to vector<128x128xf32>
    %add3A_1801 = arith.addf %dot_general3A_1796, %add3A_1800 : vector<128x128xf32>
    %custom_jvp_call3A_1802 = arith.constant 0.000000e+00 : f32
    %max3A_1803 = vector.broadcast %custom_jvp_call3A_1802 : f32 to vector<128x128xf32>
    %max3A_1804 = arith.maximumf %add3A_1801, %max3A_1803 : vector<128x128xf32>
    %sub3A_1805 = vector.broadcast %custom_jvp_call3A_1802 : f32 to vector<128x128xf32>
    %sub3A_1806 = arith.subf %add3A_1801, %sub3A_1805 : vector<128x128xf32>
    %ne3A_1807 = arith.cmpf one, %sub3A_1806, %sub3A_1806 : vector<128x128xf32>
    %add3A_1808 = vector.broadcast %custom_jvp_call3A_1802 : f32 to vector<128x128xf32>
    %add3A_1809 = arith.addf %add3A_1801, %add3A_1808 : vector<128x128xf32>
    %abs3A_1810 = math.absf %sub3A_1806 : vector<128x128xf32>
    %neg3A_1811 = arith.constant 0.000000e+00 : f32
    %neg3A_1812 = vector.broadcast %neg3A_1811 : f32 to vector<128x128xf32>
    %neg3A_1813 = arith.subf %neg3A_1812, %abs3A_1810 : vector<128x128xf32>
    %exp3A_1814 = math.exp %neg3A_1813 : vector<128x128xf32>
    %log1p3A_1815 = math.log1p %exp3A_1814 : vector<128x128xf32>
    %add3A_1816 = arith.addf %max3A_1804, %log1p3A_1815 : vector<128x128xf32>
    %select_n3A_1817 = arith.select %ne3A_1807, %add3A_1809, %add3A_1816 : vector<128x128xi1>, vector<128x128xf32>
    %sub3A_1818 = arith.constant 0.693147182 : f32
    %sub3A_1819 = vector.broadcast %sub3A_1818 : f32 to vector<128x128xf32>
    %sub3A_1820 = arith.subf %select_n3A_1817, %sub3A_1819 : vector<128x128xf32>
    %get3A_1821 = arith.constant 0 : index
    %get3A_1822 = arith.constant 0 : index
    %get3A_1823 = vector.load %arg12[%get3A_1821, %get3A_1822] : memref<128x128xf32, #tpu.memory_space<vmem>>, vector<128x128xf32>
    %dot_general3A_1824 = arith.constant dense<0.000000e+00> : vector<128x128xf32>
    %dot_general3A_1825 = tpu.matmul %sub3A_1820, %get3A_1823, %dot_general3A_1824 {dimension_numbers = #tpu.dot_dimension_numbers<[1], [0], [0], [1], [0, 0, 1, 1], [], []>, transpose_lhs_hint = false} : vector<128x128xf32>, vector<128x128xf32>, vector<128x128xf32> -> vector<128x128xf32>
    %get3A_1826 = arith.constant 0 : index
    %get3A_1827 = arith.constant 0 : index
    %get3A_1828 = vector.load %arg13[%get3A_1826, %get3A_1827] : memref<1x128xf32, #tpu.memory_space<vmem>>, vector<1x128xf32>
    %add3A_1829 = vector.broadcast %get3A_1828 : vector<1x128xf32> to vector<128x128xf32>
    %add3A_1830 = arith.addf %dot_general3A_1825, %add3A_1829 : vector<128x128xf32>
    %swap3A = arith.constant 0 : index
    %swap3A_1831 = arith.constant 0 : index
    %swap3A_1832 = arith.constant 0 : index
    %swap3A_1833 = vector.load %arg14[%swap3A, %swap3A_1831, %swap3A_1832] : memref<1x128x128xf32, #tpu.memory_space<vmem>>, vector<1x128x128xf32>
    %swap3A_1834 = vector.shape_cast %swap3A_1833 : vector<1x128x128xf32> to vector<128x128xf32>
    %swap3A_1835 = vector.shape_cast %add3A_1830 : vector<128x128xf32> to vector<1x128x128xf32>
    tpu.vector_store %arg14[%swap3A, %swap3A_1831, %swap3A_1832], %swap3A_1835 {strides = array<i32>} : memref<1x128x128xf32, #tpu.memory_space<vmem>>, vector<1x128x128xf32>,
    return
  }
  func.func @transform_0(%arg0: i32, %arg1: i32) -> (i32, i32, i32, i32) {
    %c0_i32 = arith.constant 0 : i32
    %c0_i32_0 = arith.constant 0 : i32
    %c0_i32_1 = arith.constant 0 : i32
    return %arg0, %c0_i32, %c0_i32_0, %arg1 : i32, i32, i32, i32
  }
  func.func @transform_1(%arg0: i32, %arg1: i32) -> (i32, i32) {
    %mul3A = arith.constant 8 : i32
    %mul3A_0 = arith.muli %arg0, %mul3A : i32
    %add3A = arith.addi %mul3A_0, %arg1 : i32
    %c0_i32 = arith.constant 0 : i32
    %c0_i32_1 = arith.constant 0 : i32
    return %add3A, %c0_i32 : i32, i32
  }
  func.func @transform_2(%arg0: i32, %arg1: i32) -> (i32, i32) {
    %mul3A = arith.constant 8 : i32
    %mul3A_0 = arith.muli %arg0, %mul3A : i32
    %add3A = arith.addi %mul3A_0, %arg1 : i32
    %c0_i32 = arith.constant 0 : i32
    %c0_i32_1 = arith.constant 0 : i32
    return %add3A, %c0_i32 : i32, i32
  }
  func.func @transform_3(%arg0: i32, %arg1: i32) -> (i32, i32, i32, i32) {
    %c0_i32 = arith.constant 0 : i32
    %c0_i32_0 = arith.constant 0 : i32
    %c0_i32_1 = arith.constant 0 : i32
    return %arg0, %c0_i32, %arg1, %c0_i32_0 : i32, i32, i32, i32
  }
  func.func @transform_4(%arg0: i32, %arg1: i32) -> (i32, i32) {
    %c0_i32 = arith.constant 0 : i32
    %c0_i32_0 = arith.constant 0 : i32
    %c0_i32_1 = arith.constant 0 : i32
    return %c0_i32, %c0_i32_0 : i32, i32
  }
  func.func @transform_5(%arg0: i32, %arg1: i32) -> (i32, i32) {
    %c0_i32 = arith.constant 0 : i32
    %c0_i32_0 = arith.constant 0 : i32
    %c0_i32_1 = arith.constant 0 : i32
    return %c0_i32, %c0_i32_0 : i32, i32
  }
  func.func @transform_6(%arg0: i32, %arg1: i32) -> (i32, i32) {
    %c0_i32 = arith.constant 0 : i32
    %c0_i32_0 = arith.constant 0 : i32
    %c0_i32_1 = arith.constant 0 : i32
    return %c0_i32, %c0_i32_0 : i32, i32
  }
  func.func @transform_7(%arg0: i32, %arg1: i32) -> (i32, i32) {
    %c0_i32 = arith.constant 0 : i32
    %c0_i32_0 = arith.constant 0 : i32
    %c0_i32_1 = arith.constant 0 : i32
    return %c0_i32, %c0_i32_0 : i32, i32
  }
  func.func @transform_8(%arg0: i32, %arg1: i32) -> (i32, i32) {
    %c0_i32 = arith.constant 0 : i32
    %c0_i32_0 = arith.constant 0 : i32
    %c0_i32_1 = arith.constant 0 : i32
    return %c0_i32, %c0_i32_0 : i32, i32
  }
  func.func @transform_9(%arg0: i32, %arg1: i32) -> (i32, i32) {
    %c0_i32 = arith.constant 0 : i32
    %c0_i32_0 = arith.constant 0 : i32
    %c0_i32_1 = arith.constant 0 : i32
    return %c0_i32, %c0_i32_0 : i32, i32
  }
  func.func @transform_10(%arg0: i32, %arg1: i32) -> (i32, i32) {
    %c0_i32 = arith.constant 0 : i32
    %c0_i32_0 = arith.constant 0 : i32
    %c0_i32_1 = arith.constant 0 : i32
    return %c0_i32, %c0_i32_0 : i32, i32
  }
  func.func @transform_11(%arg0: i32, %arg1: i32) -> (i32, i32) {
    %c0_i32 = arith.constant 0 : i32
    %c0_i32_0 = arith.constant 0 : i32
    %c0_i32_1 = arith.constant 0 : i32
    return %c0_i32, %c0_i32_0 : i32, i32
  }
  func.func @transform_12(%arg0: i32, %arg1: i32) -> (i32, i32, i32) {
    %c0_i32 = arith.constant 0 : i32
    %c0_i32_0 = arith.constant 0 : i32
    return %arg0, %arg1, %c0_i32 : i32, i32, i32
  }
}

</mosaic_0001>

<sc_bundles>
// kernel: kernel.5.cloned.1.call-start
scs
__scs_entry_jumppad:
0x0: {  	(pc) =	sbr.rel $0x88, $3  }
0x1: {  	(tag) =	ssettag $0x0;
	lr =	simm.s32 $0x1  }
0x2: {  	[smem:$0x3F93] =	sst lr;
	_ =	strace $0xD0000000  }
0x3: {  	_ = 	snop  }
0x4: {  	_ = 	snop  }
0x5: {  	_ = 	snop  }
0x6: {  	_ = 	snop  }
0x7: {  	_ = 	snop  }
__scs_overlays_trampoline_lowered:
0x8: {  	[smem:$0x3FA2] =	sst s0  }
0x9: {  	[smem:$0x3FA3] =	sst s1  }
0xa: {  	[smem:$0x3FA4] =	sst s2  }
0xb: {  	[smem:$0x3FA5] =	sst s3  }
0xc: {  	[smem:$0x3FA6] =	sst s4  }
0xd: {  	[smem:$0x3FA7] =	sst s5  }
0xe: {  	[smem:$0x3FA8] =	sst s6  }
0xf: {  	[smem:$0x3FA9] =	sst s7  }
0x10: {  	[smem:$0x3FAA] =	sst s8  }
0x11: {  	[smem:$0x3FAB] =	sst s9;
	s0 =	simm.s32 @!p0 $0x0  }
0x12: {  	s1 =	sld [smem:$0x3F91];
	s0 =	simm.s32 @p0 $0x1  }
0x13: {  	[smem:$0x3FAC] =	sst s0;
	s0 =	simm.s32 @!p1 $0x0  }
0x14: {  	s2 =	sld [smem:$0x3F90];
	s0 =	simm.s32 @p1 $0x1  }
0x15: {  	[smem:$0x3FAD] =	sst s0;
	s0 =	simm.s32 @!p2 $0x0  }
0x16: {  	s3 =	sld [smem:$0x3FDB];
	s0 =	simm.s32 @p2 $0x1  }
0x17: {  	s4 =	simm.s32 $0x1BF5;
	[smem:$0x3FAF] =	sst s0  }
0x18: {  	s0 =	sld [smem:$0x3F92];
	_ =	swait.ge [sflag:s4], $0x0  }
0x19: {  	s7 =	sld [smem:$0x3F93]  }
0x1a: {  	s8 =	sadd.s32 $0xFFFFE003, lr  }
0x1b: {  	s9 =	sadd.s32 $0xFFFFFEF7, lr;
	s5 =	simm.s32 $0xFFFFFFFF;
	p2 =	slt.u32 s8, $0xFFFFF086  }
0x1c: {  	p1 =	slt.u32 s9, $0xF7A;
	s5 =	simm.s32 @!p2 $0x0  }
0x1d: {  	s5 =	simm.s32 @p1 $0x1;
	p0 =	seq.s32 s7, s2  }
0x1e: {  	s7 =	smul.u32 @!p0 $0xF7A, s2;
	p2 =	seq.s32 @!p0 s5, $0x0  }
0x1f: {  	s9 =	smul.u32 $0xF7A, s1;
	s8 =	simm.s32 @!p0 $0x1BF5;
	p2 =	por !p2, p0  }
0x20: {  	[sflag:s8] =	ssyncset.s32 @!p0 $0xFFFFF086;
	s6 =	sadd.s32 @!p0 s3, s7;
	s7 =	simm.s32 @!p0 $0x108  }
0x21: {  	s3 =	sadd.s32 s3, s9;
	s6 =	sadd.s32 @!p0 $0x88, s6;
	s7 =	simm.s32 @p2 $0x1082  }
0x22: {  	[simem:s7], [sflag:s8] =	dma.local @!p0 [hbm:s6], $0xF7A  }
0x23: {  	s9 =	sor.u32 $0xD0000000, s2;
	s6 =	simm.s32 $0x108;
	_ =	swait.ge @!p0 [sflag:s8], $0x0  }
0x24: {  	s3 =	sadd.s32 $0x88, s3;
	s6 =	simm.s32 @!p1 $0x1082;
	[sflag:s4] =	ssyncset.s32 $0xFFFFF086  }
0x25: {  	[simem:s6], [sflag:s4] =	dma.local [hbm:s3], $0xF7A  }
0x26: {  	[smem:$0x3F93] =	sst s1;
	(tag) =	ssettag s2;
	_ =	strace s9  }
0x27: {  	s1 =	sld [smem:$0x3FA3]  }
0x28: {  	s2 =	sld [smem:$0x3FA4]  }
0x29: {  	s4 =	sld [smem:$0x3FA6]  }
0x2a: {  	p0 =	seq.s32 s5, $0x0;
	s5 =	sld [smem:$0x3FA7]  }
0x2b: {  	s6 =	sld [smem:$0x3FA8]  }
0x2c: {  	s7 =	sld [smem:$0x3FA9]  }
0x2d: {  	s3 =	simm.s32 $0x108;
	s8 =	sld [smem:$0x3FAA]  }
0x2e: {  	s3 =	simm.s32 @!p0 $0x1082;
	s9 =	sld [smem:$0x3FAB]  }
0x2f: {  	lr =	sadd.s32 s0, s3;
	s0 =	sld [smem:$0x3FA2]  }
0x30: {  	s3 =	sld [smem:$0x3FA5]  }
0x31: {  	[smem:$0x3FAE] =	sst s10  }
0x32: {  	s10 =	sld [smem:$0x3FAC];
	_ =	sdelay $0x3  }
0x33: {  	p0 =	seq.s32 s10, $0x1;
	s10 =	sld [smem:$0x3FAE];
	_ =	sdelay $0x3  }
0x34: {  	[smem:$0x3FAE] =	sst s10  }
0x35: {  	s10 =	sld [smem:$0x3FAD];
	_ =	sdelay $0x3  }
0x36: {  	p1 =	seq.s32 s10, $0x1;
	s10 =	sld [smem:$0x3FAE];
	_ =	sdelay $0x3  }
0x37: {  	[smem:$0x3FAE] =	sst s10  }
0x38: {  	s10 =	sld [smem:$0x3FAF]  }
0x39: {  	_ = 	snop;
	(pc) =	sbr.ind lr, $3  }
0x3a: {  	_ = 	snop  }
0x3b: {  	_ = 	snop  }
0x3c: {  	p2 =	seq.s32 s10, $0x1;
	s10 =	sld [smem:$0x3FAE]  }
0x3d: {  	_ =	shalt  }
0x3e: {  	_ =	shalt  }
0x3f: {  	_ =	shalt  }
0x40: {  	_ =	shalt  }
0x41: {  	_ =	shalt  }
0x42: {  	_ =	shalt  }
0x43: {  	_ =	shalt  }
0x44: {  	_ =	shalt  }
0x45: {  	_ =	shalt  }
0x46: {  	_ =	shalt  }
0x47: {  	_ =	shalt  }
0x48: {  	_ =	shalt  }
0x49: {  	_ =	shalt  }
0x4a: {  	_ =	shalt  }
0x4b: {  	_ =	shalt  }
0x4c: {  	_ =	shalt  }
0x4d: {  	_ =	shalt  }
0x4e: {  	_ =	shalt  }
0x4f: {  	_ =	shalt  }
0x50: {  	_ =	shalt  }
0x51: {  	_ =	shalt  }
0x52: {  	_ =	shalt  }
0x53: {  	_ =	shalt  }
0x54: {  	_ =	shalt  }
0x55: {  	_ =	shalt  }
0x56: {  	_ =	shalt  }
0x57: {  	_ =	shalt  }
0x58: {  	_ =	shalt  }
0x59: {  	_ =	shalt  }
0x5a: {  	_ =	shalt  }
0x5b: {  	_ =	shalt  }
0x5c: {  	_ =	shalt  }
0x5d: {  	_ =	shalt  }
0x5e: {  	_ =	shalt  }
0x5f: {  	_ =	shalt  }
0x60: {  	_ =	shalt  }
0x61: {  	_ =	shalt  }
0x62: {  	_ =	shalt  }
0x63: {  	_ =	shalt  }
0x64: {  	_ =	shalt  }
0x65: {  	_ =	shalt  }
0x66: {  	_ =	shalt  }
0x67: {  	_ =	shalt  }
0x68: {  	_ =	shalt  }
0x69: {  	_ =	shalt  }
0x6a: {  	_ =	shalt  }
0x6b: {  	_ =	shalt  }
0x6c: {  	_ =	shalt  }
0x6d: {  	_ =	shalt  }
0x6e: {  	_ =	shalt  }
0x6f: {  	_ =	shalt  }
0x70: {  	_ =	shalt  }
0x71: {  	_ =	shalt  }
0x72: {  	_ =	shalt  }
0x73: {  	_ =	shalt  }
0x74: {  	_ =	shalt  }
0x75: {  	_ =	shalt  }
0x76: {  	_ =	shalt  }
0x77: {  	_ =	shalt  }
0x78: {  	_ =	shalt  }
0x79: {  	_ =	shalt  }
0x7a: {  	_ =	shalt  }
0x7b: {  	_ =	shalt  }
0x7c: {  	_ =	shalt  }
0x7d: {  	_ =	shalt  }
0x7e: {  	_ =	shalt  }
0x7f: {  	_ =	shalt  }
0x80: {  	_ =	shalt  }
0x81: {  	_ =	shalt  }
0x82: {  	_ =	shalt  }
0x83: {  	_ =	shalt  }
0x84: {  	_ =	shalt  }
0x85: {  	_ =	shalt  }
0x86: {  	_ =	shalt  }
0x87: {  	_ =	shalt  }
.Lfunc_end0:
.L_simem_size_0:
called_computation_lowered:
.L_overlay_start_0:
0x88: {  	s2 =	sld [smem:$0x3FD9]  }
0x89: {  	s3 =	sld [smem:$0x3FFE];
	_ =	sdelay $0x1  }
0x8a: {  	s1 =	srdreg.scid  }
0x8b: {  	s0 =	sand.u32 $0x1, s1  }
0x8c: {  	s17 =	sshll.u32 s0, $0xA;
	s2 =	sadd.s32 s3, s2  }
0x8d: {  	s2 =	sadd.s32 s2, s17  }
0x8e: {  	[smem:$0x3FBA] =	sst s2  }
0x8f: {  	_ = 	snop  }
0x90: {  	s2 =	sld [smem:$0x3FD0];
	(tm) =	ssettm $0x1  }
0x91: {  	s18 =	sld [smem:$0x3FFB];
	_ =	sdelay $0x3  }
0x92: {  	_ =	strace s18  }
0x93: {  	s3 =	sld [smem:$0x3FFC];
	_ =	sdelay $0x3  }
0x94: {  	_ =	strace s3  }
0x95: {  	s3 =	sld [smem:$0x3FFD];
	_ =	sdelay $0x3  }
0x96: {  	_ =	strace s3  }
0x97: {  	_ =	strace $0x8FFFFFFF  }
0x98: {  	s19 =	sld [smem:$0x3FDB];
	_ =	sdelay $0x1  }
0x99: {  	s4 =	simm.s32 $_scs_section_size  }
0x9a: {  	s5 =	simm.s32 $_size__tile_overlayer_lowered;
	s6 =	simm.s32 $_tile_overlayer_lowered  }
0x9b: {  	s22 =	simm.s32 $0x1BFF;
	s21 =	sshll.u32 s6, $0x1;
	s3 =	sadd.s32 s4, s19  }
0x9c: {  	s7 =	simm.s32 $0x0;
	s20 =	sshll.u32 s5, $0x1;
	s5 =	sadd.s32 s21, s3  }
0x9d: {  	[timem:s7], [sflag:s22] =	dma.local [hbm:s5], s20  }
0x9e: {  	_ =	swait.ge [sflag:s22], s20  }
0x9f: {  	s4 =	ssub.s32 $0x0, s20;
	[sflag:s22] =	ssyncset.done $0x0  }
0xa0: {  	[sflag:s22] =	ssyncadd.s32 s4;
	_ =	sdelay $0x1  }
0xa1: {  	s23 =	simm.s32 $0x1B8B  }
0xa2: {  	_ =	swait.ge [sflag:s23], $0x1  }
0xa3: {  	[sflag:s23] =	ssyncset.done $0x0  }
0xa4: {  	s25 =	simm.s32 $0x1B8E;
	s24 =	sld [smem:$0x3FFE];
	[sflag:s23] =	ssyncadd.s32 $0xFFFFFFFF  }
0xa5: {  	s26 =	simm.s32 $execute0_lowered;
	[smem:$0x3FD2] =	sst s25  }
0xa6: {  	s5 =	sshll.u32 s26, $0x1;
	_ =	strace $0x80000046;
	[dreg:$0x1] =	wrdreg $0xFFFFFFFF  }
0xa7: {  	s28 =	simm.s32 $_size_execute0_lowered;
	s3 =	sadd.s32 s3, s5;
	[dreg:$0x0] =	wrdreg $0x0  }
0xa8: {  	s5 =	sshll.u32 s28, $0x1;
	[dreg:$0x2] =	wrdreg s3  }
0xa9: {  	[dreg:$0x3] =	wrdreg s5  }
0xaa: {  	[dreg:$0x4] =	wrdreg $0xC0  }
0xab: {  	_ =	task [dreg:s7], $0x5FFFF  }
0xac: {  	[dreg:$0x1] =	wrdreg $0xFFFFFFFF  }
0xad: {  	[dreg:$0x0] =	wrdreg $0x60  }
0xae: {  	[dreg:$0x2] =	wrdreg s2  }
0xaf: {  	[dreg:$0x3] =	wrdreg s24  }
0xb0: {  	[dreg:$0x4] =	wrdreg $0x9  }
0xb1: {  	_ =	task.clear_ibuf [dreg:s7], $0x5FFFF;
	_ =	strace $0x90000046  }
0xb2: {  	s29 =	simm.s32 $0x9;
	_ =	strace $0x80000048  }
0xb3: {  	_ =	swait.ge [sflag:s29], $0x1  }
0xb4: {  	[sflag:s29] =	ssyncadd.s32 $0xFFFFFFFF  }
0xb5: {  	_ =	strace $0x90000048  }
0xb6: {  	_ =	sfence  }
0xb7: {  	s30 =	sld [smem:$0x0];
	_ =	sdelay $0x2  }
0xb8: {  	s31 =	sshll.u32 s1, $0xD;
	s1 =	sshrl.u32 s1, $0x2  }
0xb9: {  	s3 =	sand.u32 $0x4000, s31;
	s1 =	sadd.s32 s1, s30  }
0xba: {  	s0 =	sor.u32 s3, s0;
	s1 =	sshll.u32 s1, $0x11  }
0xbb: {  	s0 =	sor.u32 s1, s0  }
0xbc: {  	s0 =	sadd.s32 $0x8F2B, s0  }
0xbd: {  	[sflag:s0] =	ssyncadd.remote.s32 $0x1  }
0xbe: {  	_ =	sfence.sel $0xFFFF  }
0xbf: {  	[dreg:$0x0] =	wrdreg $0xFFFFFFFF;
	(pc) =	sbr.abs _section_cstart, $3  }
0xc0: {  	[dreg:$0x1] =	wrdreg $0xFFFFFFFF  }
0xc1: {  	_ =	task.clear_ibuf [dreg:s7], $0x2FFFF;
	_ =	strace $0x9FFFFFFF  }
0xc2: {  	(tm) =	ssettm $0x7FFFFFFF  }
0xc3: {  	_ =	shalt  }
tec
execute0_lowered:
.L_overlay_start_1:
0x0: {  	(tag) =	ssettag $0x1  }
0x1: {  	s2 =	rddreg [dreg:$0x0]  }
0x2: {  	s4 =	rddreg [dreg:$0x1];
	s3 =	srdreg.scid  }
0x3: {  	s0 =	rddreg [dreg:$0x2];
	s1 =	stileid.u32  }
0x4: {  	s10 =	simm.s32 $0x2;
	s11 =	simm.s32 $0x6000;
	s12 =	simm.s32 $0x0  }
0x5: {  	s7 =	sand.u32 $0x1, s3;
	s3 =	simm.s32 $0x0;
	s5 =	sshll.u32 s1, $0xE  }
0x6: {  	s9 =	sadd.s32 $0x9E00, s4;
	s31 =	sshll.u32 s1, $0x12;
	s6 =	sshll.u32 s7, $0xD  }
0x7: {  	[smem:$0x7FF] =	sst s3;
	s8 =	ssub.s32 $0x2, s7;
	s7 =	sshll.u32 s7, $0x11  }
0x8: {  	s5 =	sor.u32 s6, s5;
	_ =	strace $0x80000047;
	s29 =	sshrl.u32 s8, $0x1  }
0x9: {  	s6 =	sshrl.u32 s5, $0x3;
	s8 =	ssub.s32 s8, s29;
	s5 =	sshll.u32 s5, $0x4  }
0xa: {  	s6 =	sadd.s32 s6, s4;
	s30 =	sadd.s32 s9, s5;
	s5 =	smax.u32 s8, $0x1  }
0xb: {  	s8 =	sadd.s32 s31, s9;
	s9 =	simm.s32 $0x2000;
	s4 =	sadd.s32 $0x1E00, s6  }
0xc: {  	s6 =	sadd.s32 $0x1F800, s30;
	s7 =	sadd.s32 s7, s8;
	s8 =	simm.s32 $0x3  }
.LBB2_1:
0xd: {  	[tilespmem:s3], [sflag:$0x3] =	stream.linear.gather [hbm4b:s4+s3], $0x2000, $0x38;
	[tilespmem:$0xA000] =	vst v63  }
0xe: {  	_ =	swait.ge [sflag:s8], $0x2000  }
0xf: {  	s14 =	sand.u32 $0x1, s3;
	[sflag:s8] =	ssyncset.done $0x0  }
0x10: {  	s13 =	simm.s32 $0x80;
	p0 =	seq.s32 s14, $0x1;
	[sflag:s8] =	ssyncadd.s32 $0xFFFFE000  }
0x11: {  	[tilespmem:s9], [sflag:$0x1] =	stream.indirect.gather [hbm4b:s2+s13], $0x80, s3, s13, $0xb8;
	[tilespmem:$0xA000] =	vst v63  }
0x12: {  	s14 =	simm.s32 @p0 $0x80;
	s15 =	simm.s32 @p0 $0x2000;
	s16 =	simm.s32 @p0 $0x2  }
0x13: {  	[tilespmem:s15], [sflag:$0x1] =	stream.indirect.gather @p0 [hbm4b:s2+s14], $0x80, s13, s14, $0xb8;
	[tilespmem:$0xA000] =	vst v63  }
0x14: {  	_ =	swait.ge @p0 [sflag:s16], $0x4000  }
0x15: {  	[sflag:s16] =	ssyncset.done @p0 $0x0  }
0x16: {  	s14 =	simm.s32 @p0 $0x0;
	s15 =	simm.s32 @p0 $0x6000;
	[sflag:s16] =	ssyncadd.s32 @p0 $0xFFFFC000  }
0x17: {  	[hbm4b:s7+s14] =	stream.linear.scatter @p0 [tilespmem:s15], [sflag:$0x3], $0x4000, $0x38;
	[tilespmem:$0xA000] =	vst v63  }
0x18: {  	s17 =	simm.s32 @!p0 $0x1;
	s14 =	simm.s32 @!p0 $0x80;
	s15 =	simm.s32 @!p0 $0x6000  }
0x19: {  	[tilespmem:s15], [sflag:$0x2] =	stream.indirect.gather @!p0 [hbm4b:s2+s14], $0x80, s13, s14, $0xb8;
	[tilespmem:$0xA000] =	vst v63  }
0x1a: {  	s16 =	simm.s32 @!p0 $0x4;
	_ =	swait.ge @!p0 [sflag:s17], $0x4000  }
0x1b: {  	s31 =	simm.s32 $0x1;
	s16 =	simm.s32 @p0 $0x3;
	[sflag:s17] =	ssyncset.done @!p0 $0x0  }
0x1c: {  	s14 =	simm.s32 @!p0 $0x2000;
	[sflag:s17] =	ssyncadd.s32 @!p0 $0xFFFFC000;
	s17 =	simm.s32 @!p0 $0x0  }
0x1d: {  	[hbm4b:s7+s17] =	stream.linear.scatter @!p0 [tilespmem:s14], [sflag:$0x4], $0x4000, $0x38;
	[tilespmem:$0xA000] =	vst v63  }
0x1e: {  	s15 =	simm.s32 $0x2;
	s13 =	sand.u32 $0x1, s31;
	s14 =	simm.s32 $0x100  }
0x1f: {  	p0 =	seq.s32 s13, $0x1;
	s13 =	sadd.s32 $0x800, s7;
	_ =	swait.ge [sflag:s16], $0x4000  }
.LBB2_2:
0x20: {  	s17 =	simm.s32 @p0 $0x80;
	s18 =	simm.s32 @p0 $0x2000  }
0x21: {  	[sflag:s16] =	ssyncset.done $0x0;
	s19 =	smov.u32 s15;
	s20 =	smov.u32 s14  }
0x22: {  	s15 =	sadd.s32 $0x1, s15;
	s21 =	simm.s32 @p0 $0x2;
	[sflag:s16] =	ssyncadd.s32 $0xFFFFC000  }
0x23: {  	[tilespmem:s18], [sflag:$0x1] =	stream.indirect.gather @p0 [hbm4b:s2+s17], $0x80, s14, s17, $0xb8;
	[tilespmem:$0xA000] =	vst v63  }
0x24: {  	p1 =	sne.s32 s15, $0x3F;
	_ =	swait.ge @p0 [sflag:s21], $0x4000  }
0x25: {  	s14 =	sadd.s32 $0x80, s14;
	[sflag:s21] =	ssyncset.done @p0 $0x0  }
0x26: {  	s16 =	simm.s32 @p0 $0x0;
	s17 =	simm.s32 @p0 $0x6000;
	[sflag:s21] =	ssyncadd.s32 @p0 $0xFFFFC000  }
0x27: {  	[hbm4b:s13+s16] =	stream.linear.scatter @p0 [tilespmem:s17], [sflag:$0x3], $0x4000, $0x38;
	[tilespmem:$0xA000] =	vst v63  }
0x28: {  	s18 =	simm.s32 @!p0 $0x1;
	s16 =	simm.s32 @!p0 $0x80;
	s17 =	simm.s32 @!p0 $0x6000  }
0x29: {  	[tilespmem:s17], [sflag:$0x2] =	stream.indirect.gather @!p0 [hbm4b:s2+s16], $0x80, s20, s16, $0xb8;
	[tilespmem:$0xA000] =	vst v63  }
.Ltmp0:
0x2a: {  	s17 =	sand.u32 $0x1, s19;
	_ =	swait.ge @!p0 [sflag:s18], $0x4000;
	(pc) =	sbr.rel @p1 .LBB2_2-.Ltmp0, $4  }
0x2b: {  	s19 =	simm.s32 @!p0 $0x2000;
	s16 =	simm.s32 @!p0 $0x4;
	[sflag:s18] =	ssyncset.done @!p0 $0x0  }
0x2c: {  	s16 =	simm.s32 @p0 $0x3;
	[sflag:s18] =	ssyncadd.s32 @!p0 $0xFFFFC000;
	s18 =	simm.s32 @!p0 $0x0  }
0x2d: {  	[hbm4b:s13+s18] =	stream.linear.scatter @!p0 [tilespmem:s19], [sflag:$0x4], $0x4000, $0x38;
	[tilespmem:$0xA000] =	vst v63  }
0x2e: {  	p0 =	seq.s32 s17, $0x1;
	s13 =	sadd.s32 $0x800, s13;
	_ =	swait.ge [sflag:s16], $0x4000  }
0x2f: {  	s15 =	simm.s32 @p0 $0x80;
	[sflag:s16] =	ssyncset.done $0x0  }
0x30: {  	s17 =	simm.s32 @p0 $0x2000;
	s18 =	simm.s32 @p0 $0x2;
	[sflag:s16] =	ssyncadd.s32 $0xFFFFC000  }
0x31: {  	[tilespmem:s17], [sflag:$0x1] =	stream.indirect.gather @p0 [hbm4b:s2+s15], $0x80, s14, s15, $0xb8;
	[tilespmem:$0xA000] =	vst v63  }
0x32: {  	_ =	swait.ge @p0 [sflag:s18], $0x4000  }
0x33: {  	[sflag:s18] =	ssyncset.done @p0 $0x0  }
0x34: {  	s16 =	simm.s32 @p0 $0x6000;
	s15 =	simm.s32 @p0 $0x0;
	[sflag:s18] =	ssyncadd.s32 @p0 $0xFFFFC000  }
0x35: {  	[hbm4b:s13+s15] =	stream.linear.scatter @p0 [tilespmem:s16], [sflag:$0x3], $0x4000, $0x38;
	[tilespmem:$0xA000] =	vst v63  }
0x36: {  	s17 =	simm.s32 @!p0 $0x1;
	s15 =	simm.s32 @!p0 $0x80;
	s16 =	simm.s32 @!p0 $0x6000  }
0x37: {  	[tilespmem:s16], [sflag:$0x2] =	stream.indirect.gather @!p0 [hbm4b:s2+s15], $0x80, s14, s15, $0xb8;
	[tilespmem:$0xA000] =	vst v63  }
0x38: {  	_ =	swait.ge @!p0 [sflag:s17], $0x4000  }
0x39: {  	s14 =	simm.s32 @!p0 $0x2000;
	s15 =	simm.s32 @!p0 $0x4;
	[sflag:s17] =	ssyncset.done @!p0 $0x0  }
0x3a: {  	s16 =	simm.s32 @!p0 $0x0;
	s15 =	simm.s32 @p0 $0x3;
	[sflag:s17] =	ssyncadd.s32 @!p0 $0xFFFFC000  }
0x3b: {  	[hbm4b:s13+s16] =	stream.linear.scatter @!p0 [tilespmem:s14], [sflag:$0x4], $0x4000, $0x38;
	[tilespmem:$0xA000] =	vst v63  }
0x3c: {  	_ =	swait.ge [sflag:s15], $0x4000  }
0x3d: {  	[sflag:s15] =	ssyncset.done $0x0  }
0x3e: {  	[sflag:s15] =	ssyncadd.s32 $0xFFFFC000  }
0x3f: {  	s12 =	sadd.s32 $0x1, s12;
	_ =	swait.ge [sflag:s10], $0x4000  }
0x40: {  	p0 =	sne.s32 s12, s5;
	[sflag:s10] =	ssyncset.done $0x0  }
.Ltmp1:
0x41: {  	[sflag:s10] =	ssyncadd.s32 $0xFFFFC000;
	(pc) =	sbr.rel @p0 .LBB2_1-.Ltmp1, $4  }
0x42: {  	[hbm4b:s6+s3] =	stream.linear.scatter [tilespmem:s11], [sflag:$0x3], $0x4000, $0x38;
	[tilespmem:$0xA000] =	vst v63  }
0x43: {  	_ =	swait.ge [sflag:s8], $0x4000  }
0x44: {  	[sflag:s8] =	ssyncset.done $0x0  }
0x45: {  	[sflag:s8] =	ssyncadd.s32 $0xFFFFC000  }
0x46: {  	_ =	sfence.sel $0x180000  }
0x47: {  	[bflag:$0x0] =	sbarrier.arrive $0xFFFF  }
0x48: {  	p0 =	sne.s32 s1, $0x0;
	_ =	strace $0x90000047  }
0x49: {  	s0 =	sadd.s32 @!p0 $0x100000, s0;
	[bflag:$0x2] =	sbarrier.arrive $0xFFFF  }
0x4a: {  	[sflag:s0] =	ssyncadd.tile.s32 @!p0 $0x1;
	_ =	shalt  }
.Lfunc_end2:
_tile_overlayer_lowered:
.L_overlay_start_2:
0x4b: {  	(tag) =	ssettag $0x2  }
0x4c: {  	s0 =	rddreg [dreg:$0x0];
	s2 =	stileid.u32  }
0x4d: {  	s1 =	rddreg [dreg:$0x1];
	p0 =	sne.s32 s2, $0x0  }
0x4e: {  	s3 =	rddreg [dreg:$0x2];
	[bflag:$0x3] =	sbarrier.arrive $0xFFFF;
	s2 =	simm.s32 @!p0 $0x1C03  }
0x4f: {  	[timem:s3], [sflag:s2] =	dma.local @!p0 [hbm:s0], s1  }
0x50: {  	s0 =	simm.s32 @!p0 $0x3  }
0x51: {  	_ =	swait.ge @!p0 [sflag:s0], s1  }
0x52: {  	s1 =	ssub.s32 @!p0 $0x0, s1;
	[sflag:s0] =	ssyncset.done @!p0 $0x0  }
0x53: {  	[sflag:s0] =	ssyncadd.s32 @!p0 s1  }
0x54: {  	[bflag:$0x3] =	sbarrier.arrive $0xFFFF  }
0x55: {  	_ =	shalt  }

</sc_bundles>
